<compile_context>
chip_gen: v7x
topology: tpu7x:2x2x1
jax: 0.10.2.dev20260603
libtpu: 0.0.44.dev20260713+nightly
codegen_flags: <defaults>
</compile_context>

<pallas_src>
import functools

import jax
import jax.numpy as jnp
from jax import lax
from jax.experimental import pallas as pl
from jax.experimental.pallas import tpu as pltpu
from jax.experimental.pallas import tpu_sc as plsc

B, H, N = 32, 8, 8192
ROWS = B * H
L = 16
CHUNKS = N // L
UNROLL = 4
NUM_WORKERS = 32
ROWS_PER_W = ROWS // NUM_WORKERS

_mesh = plsc.VectorSubcoreMesh(core_axis_name="c", subcore_axis_name="s")


@functools.partial(
    pl.kernel,
    out_type=jax.ShapeDtypeStruct((NUM_WORKERS, L), jnp.int32),
    mesh=_mesh,
    scratch_types=[
        pltpu.VMEM_SHARED((16, ROWS_PER_W, N), jnp.float32),
        pltpu.VMEM((2, N), jnp.float32),
        pltpu.VMEM((L,), jnp.int32),
        pltpu.SemaphoreType.DMA,
        pltpu.SemaphoreType.DMA,
        pltpu.SemaphoreType.DMA,
    ],
    compiler_params=pltpu.CompilerParams(needs_layout_passes=False),
)
def _argmin_sc(x_hbm, out_hbm, shared, buf, res_v, semh, sem0, sem1):
    sid = lax.axis_index("s")
    wid = sid * 2 + lax.axis_index("c")
    base = wid * ROWS_PER_W
    lane = jnp.arange(L, dtype=jnp.int32)
    sems = (sem0, sem1)

    pltpu.async_copy(
        x_hbm.at[pl.ds(base, ROWS_PER_W)], shared.at[sid], semh
    ).wait()

    cps = [None, None]
    cps[0] = pltpu.async_copy(shared.at[sid, 0], buf.at[0], sems[0])

    res = jnp.zeros((L,), jnp.int32)
    for r in range(ROWS_PER_W):
        slot = r % 2
        if r + 1 < ROWS_PER_W:
            nxt = (r + 1) % 2
            cps[nxt] = pltpu.async_copy(
                shared.at[sid, r + 1], buf.at[nxt], sems[nxt]
            )
        cps[slot].wait()

        def step(j, carry, slot=slot):
            best, bchunk = carry
            for u in range(UNROLL):
                c = j * UNROLL + u
                v = buf[slot, pl.ds(c * L, L)]
                m = v < best
                best = jnp.where(m, v, best)
                bchunk = jnp.where(m, c, bchunk)
            return best, bchunk

        best, bchunk = lax.fori_loop(
            0,
            CHUNKS // UNROLL,
            step,
            (jnp.full((L,), jnp.inf, jnp.float32), jnp.zeros((L,), jnp.int32)),
        )

        minval = jnp.min(best)
        cand = jnp.where(best == minval, bchunk * L + lane, jnp.int32(N))
        row_idx = jnp.min(cand)
        res = jnp.where(lane == r, row_idx, res)

    res_v[...] = res
    pltpu.sync_copy(res_v, out_hbm.at[wid])


def kernel(x):
    out = _argmin_sc(x.reshape(ROWS, N))
    return out[:, :ROWS_PER_W].reshape(B, H)

# --- scband reference (transcript-rebuilt; emitter-appended) ---
"""Pipeline reference for scband-model-new-31001073942879 (READ-ONLY COPY).

The authoritative reference and input builder live on the scoring server;
editing this copy changes nothing except your own understanding.
"""

import jax, jax.numpy as jnp
import numpy as np

def setup_inputs(seed: int = 0) -> dict:
    key = jax.random.key(seed)
    x = jax.random.normal(key, (32, 8, 8192), dtype=jnp.float32)
    return {"x": x}

def reference(x):
    # Faithful translation of ModelNew.forward: argmin along dim=2
    return jnp.argmin(x, axis=2)

if __name__ == "__main__":
    import jax
    _d = setup_inputs()
    print(jax.jit(kernel)(*tuple(_d.values())))

</pallas_src>

<mosaic_0001>
#map = affine_map<(d0, d1) -> (0, 0)>
module attributes {stable_mosaic.version = 14 : i64} {
  func.func @_argmin_sc(%arg0: i32, %arg1: i32, %arg2: memref<256x8192xf32, #tpu.memory_space<hbm>>, %arg3: memref<32x16xi32, #tpu.memory_space<hbm>>, %arg4: memref<16x8x8192xf32, #tpu.memory_space<vmem_shared>>, %arg5: memref<2x8192xf32, #tpu.memory_space<vmem>>, %arg6: memref<16xi32, #tpu.memory_space<vmem>>, %arg7: memref<!tpu.dma_semaphore, #tpu.memory_space<semaphore_mem>>, %arg8: memref<!tpu.dma_semaphore, #tpu.memory_space<semaphore_mem>>, %arg9: memref<!tpu.dma_semaphore, #tpu.memory_space<semaphore_mem>>) attributes {dimension_semantics = [#tpu.dimension_semantics<core_parallel>, #tpu.dimension_semantics<subcore_parallel>], iteration_bounds = array<i64: 2, 16>, scalar_prefetch = 0 : i64, scratch_operands = 6 : i64, tpu.core_type = #tpu.core_type<sc_vector_subcore>, window_params = [{transform_indices = #map}, {transform_indices = #map}]} {
    %mul3A = arith.constant 2 : i32
    %mul3A_0 = arith.muli %arg1, %mul3A : i32
    %add3A = arith.addi %mul3A_0, %arg0 : i32
    %mul3A_1 = arith.constant 8 : i32
    %mul3A_2 = arith.muli %add3A, %mul3A_1 : i32
    %iota3A = tpu.iota {dimensions = array<i32: 0>} : vector<16xi32>
    %dma_start3A = arith.constant 0 : i32
    %dma_start3A_3 = arith.constant 0 : i32
    %dma_start3A_4 = tpu.memref_slice %arg4[%arg1, %dma_start3A, %dma_start3A_3] : memref<16x8x8192xf32, #tpu.memory_space<vmem_shared>> -> memref<1x8x8192xf32, #tpu.memory_space<vmem_shared>>
    %dma_start3A_5 = tpu.memref_squeeze %dma_start3A_4 : memref<1x8x8192xf32, #tpu.memory_space<vmem_shared>> -> memref<8x8192xf32, #tpu.memory_space<vmem_shared>>
    %dma_start3A_6 = arith.constant 0 : i32
    %dma_start3A_7 = tpu.memref_slice %arg2[%mul3A_2, %dma_start3A_6] : memref<256x8192xf32, #tpu.memory_space<hbm>> -> memref<8x8192xf32, #tpu.memory_space<hbm>>
    tpu.enqueue_dma source(%dma_start3A_7 : memref<8x8192xf32, #tpu.memory_space<hbm>>) target(%dma_start3A_5 : memref<8x8192xf32, #tpu.memory_space<vmem_shared>>) target_semaphore(%arg7 : memref<!tpu.dma_semaphore, #tpu.memory_space<semaphore_mem>>)
    %dma_wait3A = arith.constant 0 : i32
    %dma_wait3A_8 = arith.constant 0 : i32
    %dma_wait3A_9 = tpu.memref_slice %arg4[%arg1, %dma_wait3A, %dma_wait3A_8] : memref<16x8x8192xf32, #tpu.memory_space<vmem_shared>> -> memref<1x8x8192xf32, #tpu.memory_space<vmem_shared>>
    %dma_wait3A_10 = tpu.memref_squeeze %dma_wait3A_9 : memref<1x8x8192xf32, #tpu.memory_space<vmem_shared>> -> memref<8x8192xf32, #tpu.memory_space<vmem_shared>>
    %dma_wait3A_11 = arith.constant 0 : i32
    %dma_wait3A_12 = tpu.memref_slice %arg2[%mul3A_2, %dma_wait3A_11] : memref<256x8192xf32, #tpu.memory_space<hbm>> -> memref<8x8192xf32, #tpu.memory_space<hbm>>
    tpu.wait_dma2 semaphore(%arg7 : memref<!tpu.dma_semaphore, #tpu.memory_space<semaphore_mem>>) src(%dma_wait3A_12 : memref<8x8192xf32, #tpu.memory_space<hbm>>) dst(%dma_wait3A_10 : memref<8x8192xf32, #tpu.memory_space<vmem_shared>>)
    %dma_start3A_13 = arith.constant 0 : i32
    %dma_start3A_14 = arith.constant 0 : i32
    %dma_start3A_15 = arith.constant 0 : i32
    %dma_start3A_16 = tpu.memref_slice %arg5[%dma_start3A_14, %dma_start3A_15] : memref<2x8192xf32, #tpu.memory_space<vmem>> -> memref<1x8192xf32, #tpu.memory_space<vmem>>
    %dma_start3A_17 = tpu.memref_squeeze %dma_start3A_16 : memref<1x8192xf32, #tpu.memory_space<vmem>> -> memref<8192xf32, #tpu.memory_space<vmem>>
    %dma_start3A_18 = arith.constant 0 : i32
    %dma_start3A_19 = tpu.memref_slice %arg4[%arg1, %dma_start3A_13, %dma_start3A_18] : memref<16x8x8192xf32, #tpu.memory_space<vmem_shared>> -> memref<1x1x8192xf32, #tpu.memory_space<vmem_shared>>
    %dma_start3A_20 = tpu.memref_squeeze %dma_start3A_19 : memref<1x1x8192xf32, #tpu.memory_space<vmem_shared>> -> memref<8192xf32, #tpu.memory_space<vmem_shared>>
    %dma_start3A_21 = arith.constant 0 : i32
    %dma_start3A_22 = tpu.memref_slice %arg5[%dma_start3A_14, %dma_start3A_21] : memref<2x8192xf32, #tpu.memory_space<vmem>> -> memref<1x8192xf32, #tpu.memory_space<vmem>>
    %dma_start3A_23 = tpu.memref_squeeze %dma_start3A_22 : memref<1x8192xf32, #tpu.memory_space<vmem>> -> memref<8192xf32, #tpu.memory_space<vmem>>
    %dma_start3A_24 = arith.constant 0 : i32
    %dma_start3A_25 = tpu.memref_slice %arg4[%arg1, %dma_start3A_13, %dma_start3A_24] : memref<16x8x8192xf32, #tpu.memory_space<vmem_shared>> -> memref<1x1x8192xf32, #tpu.memory_space<vmem_shared>>
    %dma_start3A_26 = tpu.memref_squeeze %dma_start3A_25 : memref<1x1x8192xf32, #tpu.memory_space<vmem_shared>> -> memref<8192xf32, #tpu.memory_space<vmem_shared>>
    tpu.enqueue_dma source(%dma_start3A_26 : memref<8192xf32, #tpu.memory_space<vmem_shared>>) target(%dma_start3A_23 : memref<8192xf32, #tpu.memory_space<vmem>>) target_semaphore(%arg8 : memref<!tpu.dma_semaphore, #tpu.memory_space<semaphore_mem>>)
    %broadcast_in_dim3A = arith.constant 0 : i32
    %broadcast_in_dim3A_27 = vector.broadcast %broadcast_in_dim3A : i32 to vector<16xi32>
    %dma_start3A_28 = arith.constant 1 : i32
    %dma_start3A_29 = arith.constant 1 : i32
    %dma_start3A_30 = arith.constant 0 : i32
    %dma_start3A_31 = tpu.memref_slice %arg5[%dma_start3A_29, %dma_start3A_30] : memref<2x8192xf32, #tpu.memory_space<vmem>> -> memref<1x8192xf32, #tpu.memory_space<vmem>>
    %dma_start3A_32 = tpu.memref_squeeze %dma_start3A_31 : memref<1x8192xf32, #tpu.memory_space<vmem>> -> memref<8192xf32, #tpu.memory_space<vmem>>
    %dma_start3A_33 = arith.constant 0 : i32
    %dma_start3A_34 = tpu.memref_slice %arg4[%arg1, %dma_start3A_28, %dma_start3A_33] : memref<16x8x8192xf32, #tpu.memory_space<vmem_shared>> -> memref<1x1x8192xf32, #tpu.memory_space<vmem_shared>>
    %dma_start3A_35 = tpu.memref_squeeze %dma_start3A_34 : memref<1x1x8192xf32, #tpu.memory_space<vmem_shared>> -> memref<8192xf32, #tpu.memory_space<vmem_shared>>
    %dma_start3A_36 = arith.constant 0 : i32
    %dma_start3A_37 = tpu.memref_slice %arg5[%dma_start3A_29, %dma_start3A_36] : memref<2x8192xf32, #tpu.memory_space<vmem>> -> memref<1x8192xf32, #tpu.memory_space<vmem>>
    %dma_start3A_38 = tpu.memref_squeeze %dma_start3A_37 : memref<1x8192xf32, #tpu.memory_space<vmem>> -> memref<8192xf32, #tpu.memory_space<vmem>>
    %dma_start3A_39 = arith.constant 0 : i32
    %dma_start3A_40 = tpu.memref_slice %arg4[%arg1, %dma_start3A_28, %dma_start3A_39] : memref<16x8x8192xf32, #tpu.memory_space<vmem_shared>> -> memref<1x1x8192xf32, #tpu.memory_space<vmem_shared>>
    %dma_start3A_41 = tpu.memref_squeeze %dma_start3A_40 : memref<1x1x8192xf32, #tpu.memory_space<vmem_shared>> -> memref<8192xf32, #tpu.memory_space<vmem_shared>>
    tpu.enqueue_dma source(%dma_start3A_41 : memref<8192xf32, #tpu.memory_space<vmem_shared>>) target(%dma_start3A_38 : memref<8192xf32, #tpu.memory_space<vmem>>) target_semaphore(%arg9 : memref<!tpu.dma_semaphore, #tpu.memory_space<semaphore_mem>>)
    %dma_wait3A_42 = arith.constant 0 : i32
    %dma_wait3A_43 = arith.constant 0 : i32
    %dma_wait3A_44 = arith.constant 0 : i32
    %dma_wait3A_45 = tpu.memref_slice %arg5[%dma_wait3A_43, %dma_wait3A_44] : memref<2x8192xf32, #tpu.memory_space<vmem>> -> memref<1x8192xf32, #tpu.memory_space<vmem>>
    %dma_wait3A_46 = tpu.memref_squeeze %dma_wait3A_45 : memref<1x8192xf32, #tpu.memory_space<vmem>> -> memref<8192xf32, #tpu.memory_space<vmem>>
    %dma_wait3A_47 = arith.constant 0 : i32
    %dma_wait3A_48 = tpu.memref_slice %arg4[%arg1, %dma_wait3A_42, %dma_wait3A_47] : memref<16x8x8192xf32, #tpu.memory_space<vmem_shared>> -> memref<1x1x8192xf32, #tpu.memory_space<vmem_shared>>
    %dma_wait3A_49 = tpu.memref_squeeze %dma_wait3A_48 : memref<1x1x8192xf32, #tpu.memory_space<vmem_shared>> -> memref<8192xf32, #tpu.memory_space<vmem_shared>>
    %dma_wait3A_50 = arith.constant 0 : i32
    %dma_wait3A_51 = tpu.memref_slice %arg5[%dma_wait3A_43, %dma_wait3A_50] : memref<2x8192xf32, #tpu.memory_space<vmem>> -> memref<1x8192xf32, #tpu.memory_space<vmem>>
    %dma_wait3A_52 = tpu.memref_squeeze %dma_wait3A_51 : memref<1x8192xf32, #tpu.memory_space<vmem>> -> memref<8192xf32, #tpu.memory_space<vmem>>
    %dma_wait3A_53 = arith.constant 0 : i32
    %dma_wait3A_54 = tpu.memref_slice %arg4[%arg1, %dma_wait3A_42, %dma_wait3A_53] : memref<16x8x8192xf32, #tpu.memory_space<vmem_shared>> -> memref<1x1x8192xf32, #tpu.memory_space<vmem_shared>>
    %dma_wait3A_55 = tpu.memref_squeeze %dma_wait3A_54 : memref<1x1x8192xf32, #tpu.memory_space<vmem_shared>> -> memref<8192xf32, #tpu.memory_space<vmem_shared>>
    tpu.wait_dma2 semaphore(%arg8 : memref<!tpu.dma_semaphore, #tpu.memory_space<semaphore_mem>>) src(%dma_wait3A_55 : memref<8192xf32, #tpu.memory_space<vmem_shared>>) dst(%dma_wait3A_52 : memref<8192xf32, #tpu.memory_space<vmem>>)
    %broadcast_in_dim3A_56 = arith.constant 0x7F800000 : f32
    %broadcast_in_dim3A_57 = vector.broadcast %broadcast_in_dim3A_56 : f32 to vector<16xf32>
    %broadcast_in_dim3A_58 = arith.constant 0 : i32
    %broadcast_in_dim3A_59 = vector.broadcast %broadcast_in_dim3A_58 : i32 to vector<16xi32>
    %scan3A = arith.constant 0 : i32
    %scan3A_60 = arith.constant 128 : i32
    %scan3A_61 = arith.addi %scan3A, %scan3A_60 : i32
    %scan3A_62 = arith.constant 1 : i32
    %scan3A_63:2 = scf.for %scan3A_522 = %scan3A to %scan3A_61 step %scan3A_62 iter_args(%scan3A_523 = %broadcast_in_dim3A_57, %scan3A_524 = %broadcast_in_dim3A_59) -> (vector<16xf32>, vector<16xi32>)  : i32 {
      %mul3A_525 = arith.constant 4 : i32
      %mul3A_526 = arith.muli %scan3A_522, %mul3A_525 : i32
      %add3A_527 = arith.constant 0 : i32
      %add3A_528 = arith.addi %mul3A_526, %add3A_527 : i32
      %mul3A_529 = arith.constant 16 : i32
      %mul3A_530 = arith.muli %add3A_528, %mul3A_529 : i32
      %get3A = arith.constant 0 : i32
      %get3A_531 = arith.index_cast %get3A : i32 to index
      %get3A_532 = arith.index_cast %mul3A_530 : i32 to index
      %get3A_533 = tpu.vector_load %arg5[%get3A_531, %get3A_532] {strides = array<i32>} : memref<2x8192xf32, #tpu.memory_space<vmem>>, vector<16xf32>,
      %lt3A = arith.cmpf olt, %get3A_533, %scan3A_523 : vector<16xf32>
      %select_n3A_534 = arith.select %lt3A, %get3A_533, %scan3A_523 : vector<16xi1>, vector<16xf32>
      %broadcast_in_dim3A_535 = vector.broadcast %add3A_528 : i32 to vector<16xi32>
      %select_n3A_536 = arith.select %lt3A, %broadcast_in_dim3A_535, %scan3A_524 : vector<16xi1>, vector<16xi32>
      %mul3A_537 = arith.constant 4 : i32
      %mul3A_538 = arith.muli %scan3A_522, %mul3A_537 : i32
      %add3A_539 = arith.constant 1 : i32
      %add3A_540 = arith.addi %mul3A_538, %add3A_539 : i32
      %mul3A_541 = arith.constant 16 : i32
      %mul3A_542 = arith.muli %add3A_540, %mul3A_541 : i32
      %get3A_543 = arith.constant 0 : i32
      %get3A_544 = arith.index_cast %get3A_543 : i32 to index
      %get3A_545 = arith.index_cast %mul3A_542 : i32 to index
      %get3A_546 = tpu.vector_load %arg5[%get3A_544, %get3A_545] {strides = array<i32>} : memref<2x8192xf32, #tpu.memory_space<vmem>>, vector<16xf32>,
      %lt3A_547 = arith.cmpf olt, %get3A_546, %select_n3A_534 : vector<16xf32>
      %select_n3A_548 = arith.select %lt3A_547, %get3A_546, %select_n3A_534 : vector<16xi1>, vector<16xf32>
      %broadcast_in_dim3A_549 = vector.broadcast %add3A_540 : i32 to vector<16xi32>
      %select_n3A_550 = arith.select %lt3A_547, %broadcast_in_dim3A_549, %select_n3A_536 : vector<16xi1>, vector<16xi32>
      %mul3A_551 = arith.constant 4 : i32
      %mul3A_552 = arith.muli %scan3A_522, %mul3A_551 : i32
      %add3A_553 = arith.constant 2 : i32
      %add3A_554 = arith.addi %mul3A_552, %add3A_553 : i32
      %mul3A_555 = arith.constant 16 : i32
      %mul3A_556 = arith.muli %add3A_554, %mul3A_555 : i32
      %get3A_557 = arith.constant 0 : i32
      %get3A_558 = arith.index_cast %get3A_557 : i32 to index
      %get3A_559 = arith.index_cast %mul3A_556 : i32 to index
      %get3A_560 = tpu.vector_load %arg5[%get3A_558, %get3A_559] {strides = array<i32>} : memref<2x8192xf32, #tpu.memory_space<vmem>>, vector<16xf32>,
      %lt3A_561 = arith.cmpf olt, %get3A_560, %select_n3A_548 : vector<16xf32>
      %select_n3A_562 = arith.select %lt3A_561, %get3A_560, %select_n3A_548 : vector<16xi1>, vector<16xf32>
      %broadcast_in_dim3A_563 = vector.broadcast %add3A_554 : i32 to vector<16xi32>
      %select_n3A_564 = arith.select %lt3A_561, %broadcast_in_dim3A_563, %select_n3A_550 : vector<16xi1>, vector<16xi32>
      %mul3A_565 = arith.constant 4 : i32
      %mul3A_566 = arith.muli %scan3A_522, %mul3A_565 : i32
      %add3A_567 = arith.constant 3 : i32
      %add3A_568 = arith.addi %mul3A_566, %add3A_567 : i32
      %mul3A_569 = arith.constant 16 : i32
      %mul3A_570 = arith.muli %add3A_568, %mul3A_569 : i32
      %get3A_571 = arith.constant 0 : i32
      %get3A_572 = arith.index_cast %get3A_571 : i32 to index
      %get3A_573 = arith.index_cast %mul3A_570 : i32 to index
      %get3A_574 = tpu.vector_load %arg5[%get3A_572, %get3A_573] {strides = array<i32>} : memref<2x8192xf32, #tpu.memory_space<vmem>>, vector<16xf32>,
      %lt3A_575 = arith.cmpf olt, %get3A_574, %select_n3A_562 : vector<16xf32>
      %select_n3A_576 = arith.select %lt3A_575, %get3A_574, %select_n3A_562 : vector<16xi1>, vector<16xf32>
      %broadcast_in_dim3A_577 = vector.broadcast %add3A_568 : i32 to vector<16xi32>
      %select_n3A_578 = arith.select %lt3A_575, %broadcast_in_dim3A_577, %select_n3A_564 : vector<16xi1>, vector<16xi32>
      scf.yield %select_n3A_576, %select_n3A_578 : vector<16xf32>, vector<16xi32>
    }
    %scan3A_64 = arith.constant 128 : i32
    %reduce_min3A = arith.constant true
    %reduce_min3A_65 = vector.broadcast %reduce_min3A : i1 to vector<16xi1>
    %reduce_min3A_66 = tpu.scan <min>, %scan3A_63#0 masked %reduce_min3A_65 : vector<16xf32>, vector<16xi1> -> vector<16xf32>
    %reduce_min3A_67 = vector.extract %reduce_min3A_66[15] : f32 from vector<16xf32>
    %eq3A = vector.broadcast %reduce_min3A_67 : f32 to vector<16xf32>
    %eq3A_68 = arith.cmpf oeq, %scan3A_63#0, %eq3A : vector<16xf32>
    %mul3A_69 = arith.constant 16 : i32
    %mul3A_70 = vector.broadcast %mul3A_69 : i32 to vector<16xi32>
    %mul3A_71 = arith.muli %scan3A_63#1, %mul3A_70 : vector<16xi32>
    %add3A_72 = arith.addi %mul3A_71, %iota3A : vector<16xi32>
    %jit3A = arith.constant 8192 : i32
    %broadcast_in_dim3A_73 = vector.broadcast %jit3A : i32 to vector<16xi32>
    %select_n3A = arith.select %eq3A_68, %add3A_72, %broadcast_in_dim3A_73 : vector<16xi1>, vector<16xi32>
    %reduce_min3A_74 = arith.constant true
    %reduce_min3A_75 = vector.broadcast %reduce_min3A_74 : i1 to vector<16xi1>
    %reduce_min3A_76 = arith.constant -2147483648 : i32
    %reduce_min3A_77 = vector.broadcast %reduce_min3A_76 : i32 to vector<16xi32>
    %reduce_min3A_78 = arith.xori %select_n3A, %reduce_min3A_77 : vector<16xi32>
    %reduce_min3A_79 = tpu.scan <min>, %reduce_min3A_78 masked %reduce_min3A_75 : vector<16xi32>, vector<16xi1> -> vector<16xi32>
    %reduce_min3A_80 = arith.xori %reduce_min3A_79, %reduce_min3A_77 : vector<16xi32>
    %reduce_min3A_81 = vector.extract %reduce_min3A_80[15] : i32 from vector<16xi32>
    %eq3A_82 = arith.constant 0 : i32
    %eq3A_83 = vector.broadcast %eq3A_82 : i32 to vector<16xi32>
    %eq3A_84 = arith.cmpi eq, %iota3A, %eq3A_83 : vector<16xi32>
    %broadcast_in_dim3A_85 = vector.broadcast %reduce_min3A_81 : i32 to vector<16xi32>
    %select_n3A_86 = arith.select %eq3A_84, %broadcast_in_dim3A_85, %broadcast_in_dim3A_27 : vector<16xi1>, vector<16xi32>
    %dma_start3A_87 = arith.constant 2 : i32
    %dma_start3A_88 = arith.constant 0 : i32
    %dma_start3A_89 = arith.constant 0 : i32
    %dma_start3A_90 = tpu.memref_slice %arg5[%dma_start3A_88, %dma_start3A_89] : memref<2x8192xf32, #tpu.memory_space<vmem>> -> memref<1x8192xf32, #tpu.memory_space<vmem>>
    %dma_start3A_91 = tpu.memref_squeeze %dma_start3A_90 : memref<1x8192xf32, #tpu.memory_space<vmem>> -> memref<8192xf32, #tpu.memory_space<vmem>>
    %dma_start3A_92 = arith.constant 0 : i32
    %dma_start3A_93 = tpu.memref_slice %arg4[%arg1, %dma_start3A_87, %dma_start3A_92] : memref<16x8x8192xf32, #tpu.memory_space<vmem_shared>> -> memref<1x1x8192xf32, #tpu.memory_space<vmem_shared>>
    %dma_start3A_94 = tpu.memref_squeeze %dma_start3A_93 : memref<1x1x8192xf32, #tpu.memory_space<vmem_shared>> -> memref<8192xf32, #tpu.memory_space<vmem_shared>>
    %dma_start3A_95 = arith.constant 0 : i32
    %dma_start3A_96 = tpu.memref_slice %arg5[%dma_start3A_88, %dma_start3A_95] : memref<2x8192xf32, #tpu.memory_space<vmem>> -> memref<1x8192xf32, #tpu.memory_space<vmem>>
    %dma_start3A_97 = tpu.memref_squeeze %dma_start3A_96 : memref<1x8192xf32, #tpu.memory_space<vmem>> -> memref<8192xf32, #tpu.memory_space<vmem>>
    %dma_start3A_98 = arith.constant 0 : i32
    %dma_start3A_99 = tpu.memref_slice %arg4[%arg1, %dma_start3A_87, %dma_start3A_98] : memref<16x8x8192xf32, #tpu.memory_space<vmem_shared>> -> memref<1x1x8192xf32, #tpu.memory_space<vmem_shared>>
    %dma_start3A_100 = tpu.memref_squeeze %dma_start3A_99 : memref<1x1x8192xf32, #tpu.memory_space<vmem_shared>> -> memref<8192xf32, #tpu.memory_space<vmem_shared>>
    tpu.enqueue_dma source(%dma_start3A_100 : memref<8192xf32, #tpu.memory_space<vmem_shared>>) target(%dma_start3A_97 : memref<8192xf32, #tpu.memory_space<vmem>>) target_semaphore(%arg8 : memref<!tpu.dma_semaphore, #tpu.memory_space<semaphore_mem>>)
    %dma_wait3A_101 = arith.constant 1 : i32
    %dma_wait3A_102 = arith.constant 1 : i32
    %dma_wait3A_103 = arith.constant 0 : i32
    %dma_wait3A_104 = tpu.memref_slice %arg5[%dma_wait3A_102, %dma_wait3A_103] : memref<2x8192xf32, #tpu.memory_space<vmem>> -> memref<1x8192xf32, #tpu.memory_space<vmem>>
    %dma_wait3A_105 = tpu.memref_squeeze %dma_wait3A_104 : memref<1x8192xf32, #tpu.memory_space<vmem>> -> memref<8192xf32, #tpu.memory_space<vmem>>
    %dma_wait3A_106 = arith.constant 0 : i32
    %dma_wait3A_107 = tpu.memref_slice %arg4[%arg1, %dma_wait3A_101, %dma_wait3A_106] : memref<16x8x8192xf32, #tpu.memory_space<vmem_shared>> -> memref<1x1x8192xf32, #tpu.memory_space<vmem_shared>>
    %dma_wait3A_108 = tpu.memref_squeeze %dma_wait3A_107 : memref<1x1x8192xf32, #tpu.memory_space<vmem_shared>> -> memref<8192xf32, #tpu.memory_space<vmem_shared>>
    %dma_wait3A_109 = arith.constant 0 : i32
    %dma_wait3A_110 = tpu.memref_slice %arg5[%dma_wait3A_102, %dma_wait3A_109] : memref<2x8192xf32, #tpu.memory_space<vmem>> -> memref<1x8192xf32, #tpu.memory_space<vmem>>
    %dma_wait3A_111 = tpu.memref_squeeze %dma_wait3A_110 : memref<1x8192xf32, #tpu.memory_space<vmem>> -> memref<8192xf32, #tpu.memory_space<vmem>>
    %dma_wait3A_112 = arith.constant 0 : i32
    %dma_wait3A_113 = tpu.memref_slice %arg4[%arg1, %dma_wait3A_101, %dma_wait3A_112] : memref<16x8x8192xf32, #tpu.memory_space<vmem_shared>> -> memref<1x1x8192xf32, #tpu.memory_space<vmem_shared>>
    %dma_wait3A_114 = tpu.memref_squeeze %dma_wait3A_113 : memref<1x1x8192xf32, #tpu.memory_space<vmem_shared>> -> memref<8192xf32, #tpu.memory_space<vmem_shared>>
    tpu.wait_dma2 semaphore(%arg9 : memref<!tpu.dma_semaphore, #tpu.memory_space<semaphore_mem>>) src(%dma_wait3A_114 : memref<8192xf32, #tpu.memory_space<vmem_shared>>) dst(%dma_wait3A_111 : memref<8192xf32, #tpu.memory_space<vmem>>)
    %broadcast_in_dim3A_115 = arith.constant 0x7F800000 : f32
    %broadcast_in_dim3A_116 = vector.broadcast %broadcast_in_dim3A_115 : f32 to vector<16xf32>
    %broadcast_in_dim3A_117 = arith.constant 0 : i32
    %broadcast_in_dim3A_118 = vector.broadcast %broadcast_in_dim3A_117 : i32 to vector<16xi32>
    %scan3A_119 = arith.constant 0 : i32
    %scan3A_120 = arith.constant 128 : i32
    %scan3A_121 = arith.addi %scan3A_119, %scan3A_120 : i32
    %scan3A_122 = arith.constant 1 : i32
    %scan3A_123:2 = scf.for %scan3A_522 = %scan3A_119 to %scan3A_121 step %scan3A_122 iter_args(%scan3A_523 = %broadcast_in_dim3A_116, %scan3A_524 = %broadcast_in_dim3A_118) -> (vector<16xf32>, vector<16xi32>)  : i32 {
      %mul3A_525 = arith.constant 4 : i32
      %mul3A_526 = arith.muli %scan3A_522, %mul3A_525 : i32
      %add3A_527 = arith.constant 0 : i32
      %add3A_528 = arith.addi %mul3A_526, %add3A_527 : i32
      %mul3A_529 = arith.constant 16 : i32
      %mul3A_530 = arith.muli %add3A_528, %mul3A_529 : i32
      %get3A = arith.constant 1 : i32
      %get3A_531 = arith.index_cast %get3A : i32 to index
      %get3A_532 = arith.index_cast %mul3A_530 : i32 to index
      %get3A_533 = tpu.vector_load %arg5[%get3A_531, %get3A_532] {strides = array<i32>} : memref<2x8192xf32, #tpu.memory_space<vmem>>, vector<16xf32>,
      %lt3A = arith.cmpf olt, %get3A_533, %scan3A_523 : vector<16xf32>
      %select_n3A_534 = arith.select %lt3A, %get3A_533, %scan3A_523 : vector<16xi1>, vector<16xf32>
      %broadcast_in_dim3A_535 = vector.broadcast %add3A_528 : i32 to vector<16xi32>
      %select_n3A_536 = arith.select %lt3A, %broadcast_in_dim3A_535, %scan3A_524 : vector<16xi1>, vector<16xi32>
      %mul3A_537 = arith.constant 4 : i32
      %mul3A_538 = arith.muli %scan3A_522, %mul3A_537 : i32
      %add3A_539 = arith.constant 1 : i32
      %add3A_540 = arith.addi %mul3A_538, %add3A_539 : i32
      %mul3A_541 = arith.constant 16 : i32
      %mul3A_542 = arith.muli %add3A_540, %mul3A_541 : i32
      %get3A_543 = arith.constant 1 : i32
      %get3A_544 = arith.index_cast %get3A_543 : i32 to index
      %get3A_545 = arith.index_cast %mul3A_542 : i32 to index
      %get3A_546 = tpu.vector_load %arg5[%get3A_544, %get3A_545] {strides = array<i32>} : memref<2x8192xf32, #tpu.memory_space<vmem>>, vector<16xf32>,
      %lt3A_547 = arith.cmpf olt, %get3A_546, %select_n3A_534 : vector<16xf32>
      %select_n3A_548 = arith.select %lt3A_547, %get3A_546, %select_n3A_534 : vector<16xi1>, vector<16xf32>
      %broadcast_in_dim3A_549 = vector.broadcast %add3A_540 : i32 to vector<16xi32>
      %select_n3A_550 = arith.select %lt3A_547, %broadcast_in_dim3A_549, %select_n3A_536 : vector<16xi1>, vector<16xi32>
      %mul3A_551 = arith.constant 4 : i32
      %mul3A_552 = arith.muli %scan3A_522, %mul3A_551 : i32
      %add3A_553 = arith.constant 2 : i32
      %add3A_554 = arith.addi %mul3A_552, %add3A_553 : i32
      %mul3A_555 = arith.constant 16 : i32
      %mul3A_556 = arith.muli %add3A_554, %mul3A_555 : i32
      %get3A_557 = arith.constant 1 : i32
      %get3A_558 = arith.index_cast %get3A_557 : i32 to index
      %get3A_559 = arith.index_cast %mul3A_556 : i32 to index
      %get3A_560 = tpu.vector_load %arg5[%get3A_558, %get3A_559] {strides = array<i32>} : memref<2x8192xf32, #tpu.memory_space<vmem>>, vector<16xf32>,
      %lt3A_561 = arith.cmpf olt, %get3A_560, %select_n3A_548 : vector<16xf32>
      %select_n3A_562 = arith.select %lt3A_561, %get3A_560, %select_n3A_548 : vector<16xi1>, vector<16xf32>
      %broadcast_in_dim3A_563 = vector.broadcast %add3A_554 : i32 to vector<16xi32>
      %select_n3A_564 = arith.select %lt3A_561, %broadcast_in_dim3A_563, %select_n3A_550 : vector<16xi1>, vector<16xi32>
      %mul3A_565 = arith.constant 4 : i32
      %mul3A_566 = arith.muli %scan3A_522, %mul3A_565 : i32
      %add3A_567 = arith.constant 3 : i32
      %add3A_568 = arith.addi %mul3A_566, %add3A_567 : i32
      %mul3A_569 = arith.constant 16 : i32
      %mul3A_570 = arith.muli %add3A_568, %mul3A_569 : i32
      %get3A_571 = arith.constant 1 : i32
      %get3A_572 = arith.index_cast %get3A_571 : i32 to index
      %get3A_573 = arith.index_cast %mul3A_570 : i32 to index
      %get3A_574 = tpu.vector_load %arg5[%get3A_572, %get3A_573] {strides = array<i32>} : memref<2x8192xf32, #tpu.memory_space<vmem>>, vector<16xf32>,
      %lt3A_575 = arith.cmpf olt, %get3A_574, %select_n3A_562 : vector<16xf32>
      %select_n3A_576 = arith.select %lt3A_575, %get3A_574, %select_n3A_562 : vector<16xi1>, vector<16xf32>
      %broadcast_in_dim3A_577 = vector.broadcast %add3A_568 : i32 to vector<16xi32>
      %select_n3A_578 = arith.select %lt3A_575, %broadcast_in_dim3A_577, %select_n3A_564 : vector<16xi1>, vector<16xi32>
      scf.yield %select_n3A_576, %select_n3A_578 : vector<16xf32>, vector<16xi32>
    }
    %scan3A_124 = arith.constant 128 : i32
    %reduce_min3A_125 = arith.constant true
    %reduce_min3A_126 = vector.broadcast %reduce_min3A_125 : i1 to vector<16xi1>
    %reduce_min3A_127 = tpu.scan <min>, %scan3A_123#0 masked %reduce_min3A_126 : vector<16xf32>, vector<16xi1> -> vector<16xf32>
    %reduce_min3A_128 = vector.extract %reduce_min3A_127[15] : f32 from vector<16xf32>
    %eq3A_129 = vector.broadcast %reduce_min3A_128 : f32 to vector<16xf32>
    %eq3A_130 = arith.cmpf oeq, %scan3A_123#0, %eq3A_129 : vector<16xf32>
    %mul3A_131 = arith.constant 16 : i32
    %mul3A_132 = vector.broadcast %mul3A_131 : i32 to vector<16xi32>
    %mul3A_133 = arith.muli %scan3A_123#1, %mul3A_132 : vector<16xi32>
    %add3A_134 = arith.addi %mul3A_133, %iota3A : vector<16xi32>
    %jit3A_135 = arith.constant 8192 : i32
    %broadcast_in_dim3A_136 = vector.broadcast %jit3A_135 : i32 to vector<16xi32>
    %select_n3A_137 = arith.select %eq3A_130, %add3A_134, %broadcast_in_dim3A_136 : vector<16xi1>, vector<16xi32>
    %reduce_min3A_138 = arith.constant true
    %reduce_min3A_139 = vector.broadcast %reduce_min3A_138 : i1 to vector<16xi1>
    %reduce_min3A_140 = arith.constant -2147483648 : i32
    %reduce_min3A_141 = vector.broadcast %reduce_min3A_140 : i32 to vector<16xi32>
    %reduce_min3A_142 = arith.xori %select_n3A_137, %reduce_min3A_141 : vector<16xi32>
    %reduce_min3A_143 = tpu.scan <min>, %reduce_min3A_142 masked %reduce_min3A_139 : vector<16xi32>, vector<16xi1> -> vector<16xi32>
    %reduce_min3A_144 = arith.xori %reduce_min3A_143, %reduce_min3A_141 : vector<16xi32>
    %reduce_min3A_145 = vector.extract %reduce_min3A_144[15] : i32 from vector<16xi32>
    %eq3A_146 = arith.constant 1 : i32
    %eq3A_147 = vector.broadcast %eq3A_146 : i32 to vector<16xi32>
    %eq3A_148 = arith.cmpi eq, %iota3A, %eq3A_147 : vector<16xi32>
    %broadcast_in_dim3A_149 = vector.broadcast %reduce_min3A_145 : i32 to vector<16xi32>
    %select_n3A_150 = arith.select %eq3A_148, %broadcast_in_dim3A_149, %select_n3A_86 : vector<16xi1>, vector<16xi32>
    %dma_start3A_151 = arith.constant 3 : i32
    %dma_start3A_152 = arith.constant 1 : i32
    %dma_start3A_153 = arith.constant 0 : i32
    %dma_start3A_154 = tpu.memref_slice %arg5[%dma_start3A_152, %dma_start3A_153] : memref<2x8192xf32, #tpu.memory_space<vmem>> -> memref<1x8192xf32, #tpu.memory_space<vmem>>
    %dma_start3A_155 = tpu.memref_squeeze %dma_start3A_154 : memref<1x8192xf32, #tpu.memory_space<vmem>> -> memref<8192xf32, #tpu.memory_space<vmem>>
    %dma_start3A_156 = arith.constant 0 : i32
    %dma_start3A_157 = tpu.memref_slice %arg4[%arg1, %dma_start3A_151, %dma_start3A_156] : memref<16x8x8192xf32, #tpu.memory_space<vmem_shared>> -> memref<1x1x8192xf32, #tpu.memory_space<vmem_shared>>
    %dma_start3A_158 = tpu.memref_squeeze %dma_start3A_157 : memref<1x1x8192xf32, #tpu.memory_space<vmem_shared>> -> memref<8192xf32, #tpu.memory_space<vmem_shared>>
    %dma_start3A_159 = arith.constant 0 : i32
    %dma_start3A_160 = tpu.memref_slice %arg5[%dma_start3A_152, %dma_start3A_159] : memref<2x8192xf32, #tpu.memory_space<vmem>> -> memref<1x8192xf32, #tpu.memory_space<vmem>>
    %dma_start3A_161 = tpu.memref_squeeze %dma_start3A_160 : memref<1x8192xf32, #tpu.memory_space<vmem>> -> memref<8192xf32, #tpu.memory_space<vmem>>
    %dma_start3A_162 = arith.constant 0 : i32
    %dma_start3A_163 = tpu.memref_slice %arg4[%arg1, %dma_start3A_151, %dma_start3A_162] : memref<16x8x8192xf32, #tpu.memory_space<vmem_shared>> -> memref<1x1x8192xf32, #tpu.memory_space<vmem_shared>>
    %dma_start3A_164 = tpu.memref_squeeze %dma_start3A_163 : memref<1x1x8192xf32, #tpu.memory_space<vmem_shared>> -> memref<8192xf32, #tpu.memory_space<vmem_shared>>
    tpu.enqueue_dma source(%dma_start3A_164 : memref<8192xf32, #tpu.memory_space<vmem_shared>>) target(%dma_start3A_161 : memref<8192xf32, #tpu.memory_space<vmem>>) target_semaphore(%arg9 : memref<!tpu.dma_semaphore, #tpu.memory_space<semaphore_mem>>)
    %dma_wait3A_165 = arith.constant 2 : i32
    %dma_wait3A_166 = arith.constant 0 : i32
    %dma_wait3A_167 = arith.constant 0 : i32
    %dma_wait3A_168 = tpu.memref_slice %arg5[%dma_wait3A_166, %dma_wait3A_167] : memref<2x8192xf32, #tpu.memory_space<vmem>> -> memref<1x8192xf32, #tpu.memory_space<vmem>>
    %dma_wait3A_169 = tpu.memref_squeeze %dma_wait3A_168 : memref<1x8192xf32, #tpu.memory_space<vmem>> -> memref<8192xf32, #tpu.memory_space<vmem>>
    %dma_wait3A_170 = arith.constant 0 : i32
    %dma_wait3A_171 = tpu.memref_slice %arg4[%arg1, %dma_wait3A_165, %dma_wait3A_170] : memref<16x8x8192xf32, #tpu.memory_space<vmem_shared>> -> memref<1x1x8192xf32, #tpu.memory_space<vmem_shared>>
    %dma_wait3A_172 = tpu.memref_squeeze %dma_wait3A_171 : memref<1x1x8192xf32, #tpu.memory_space<vmem_shared>> -> memref<8192xf32, #tpu.memory_space<vmem_shared>>
    %dma_wait3A_173 = arith.constant 0 : i32
    %dma_wait3A_174 = tpu.memref_slice %arg5[%dma_wait3A_166, %dma_wait3A_173] : memref<2x8192xf32, #tpu.memory_space<vmem>> -> memref<1x8192xf32, #tpu.memory_space<vmem>>
    %dma_wait3A_175 = tpu.memref_squeeze %dma_wait3A_174 : memref<1x8192xf32, #tpu.memory_space<vmem>> -> memref<8192xf32, #tpu.memory_space<vmem>>
    %dma_wait3A_176 = arith.constant 0 : i32
    %dma_wait3A_177 = tpu.memref_slice %arg4[%arg1, %dma_wait3A_165, %dma_wait3A_176] : memref<16x8x8192xf32, #tpu.memory_space<vmem_shared>> -> memref<1x1x8192xf32, #tpu.memory_space<vmem_shared>>
    %dma_wait3A_178 = tpu.memref_squeeze %dma_wait3A_177 : memref<1x1x8192xf32, #tpu.memory_space<vmem_shared>> -> memref<8192xf32, #tpu.memory_space<vmem_shared>>
    tpu.wait_dma2 semaphore(%arg8 : memref<!tpu.dma_semaphore, #tpu.memory_space<semaphore_mem>>) src(%dma_wait3A_178 : memref<8192xf32, #tpu.memory_space<vmem_shared>>) dst(%dma_wait3A_175 : memref<8192xf32, #tpu.memory_space<vmem>>)
    %broadcast_in_dim3A_179 = arith.constant 0x7F800000 : f32
    %broadcast_in_dim3A_180 = vector.broadcast %broadcast_in_dim3A_179 : f32 to vector<16xf32>
    %broadcast_in_dim3A_181 = arith.constant 0 : i32
    %broadcast_in_dim3A_182 = vector.broadcast %broadcast_in_dim3A_181 : i32 to vector<16xi32>
    %scan3A_183 = arith.constant 0 : i32
    %scan3A_184 = arith.constant 128 : i32
    %scan3A_185 = arith.addi %scan3A_183, %scan3A_184 : i32
    %scan3A_186 = arith.constant 1 : i32
    %scan3A_187:2 = scf.for %scan3A_522 = %scan3A_183 to %scan3A_185 step %scan3A_186 iter_args(%scan3A_523 = %broadcast_in_dim3A_180, %scan3A_524 = %broadcast_in_dim3A_182) -> (vector<16xf32>, vector<16xi32>)  : i32 {
      %mul3A_525 = arith.constant 4 : i32
      %mul3A_526 = arith.muli %scan3A_522, %mul3A_525 : i32
      %add3A_527 = arith.constant 0 : i32
      %add3A_528 = arith.addi %mul3A_526, %add3A_527 : i32
      %mul3A_529 = arith.constant 16 : i32
      %mul3A_530 = arith.muli %add3A_528, %mul3A_529 : i32
      %get3A = arith.constant 0 : i32
      %get3A_531 = arith.index_cast %get3A : i32 to index
      %get3A_532 = arith.index_cast %mul3A_530 : i32 to index
      %get3A_533 = tpu.vector_load %arg5[%get3A_531, %get3A_532] {strides = array<i32>} : memref<2x8192xf32, #tpu.memory_space<vmem>>, vector<16xf32>,
      %lt3A = arith.cmpf olt, %get3A_533, %scan3A_523 : vector<16xf32>
      %select_n3A_534 = arith.select %lt3A, %get3A_533, %scan3A_523 : vector<16xi1>, vector<16xf32>
      %broadcast_in_dim3A_535 = vector.broadcast %add3A_528 : i32 to vector<16xi32>
      %select_n3A_536 = arith.select %lt3A, %broadcast_in_dim3A_535, %scan3A_524 : vector<16xi1>, vector<16xi32>
      %mul3A_537 = arith.constant 4 : i32
      %mul3A_538 = arith.muli %scan3A_522, %mul3A_537 : i32
      %add3A_539 = arith.constant 1 : i32
      %add3A_540 = arith.addi %mul3A_538, %add3A_539 : i32
      %mul3A_541 = arith.constant 16 : i32
      %mul3A_542 = arith.muli %add3A_540, %mul3A_541 : i32
      %get3A_543 = arith.constant 0 : i32
      %get3A_544 = arith.index_cast %get3A_543 : i32 to index
      %get3A_545 = arith.index_cast %mul3A_542 : i32 to index
      %get3A_546 = tpu.vector_load %arg5[%get3A_544, %get3A_545] {strides = array<i32>} : memref<2x8192xf32, #tpu.memory_space<vmem>>, vector<16xf32>,
      %lt3A_547 = arith.cmpf olt, %get3A_546, %select_n3A_534 : vector<16xf32>
      %select_n3A_548 = arith.select %lt3A_547, %get3A_546, %select_n3A_534 : vector<16xi1>, vector<16xf32>
      %broadcast_in_dim3A_549 = vector.broadcast %add3A_540 : i32 to vector<16xi32>
      %select_n3A_550 = arith.select %lt3A_547, %broadcast_in_dim3A_549, %select_n3A_536 : vector<16xi1>, vector<16xi32>
      %mul3A_551 = arith.constant 4 : i32
      %mul3A_552 = arith.muli %scan3A_522, %mul3A_551 : i32
      %add3A_553 = arith.constant 2 : i32
      %add3A_554 = arith.addi %mul3A_552, %add3A_553 : i32
      %mul3A_555 = arith.constant 16 : i32
      %mul3A_556 = arith.muli %add3A_554, %mul3A_555 : i32
      %get3A_557 = arith.constant 0 : i32
      %get3A_558 = arith.index_cast %get3A_557 : i32 to index
      %get3A_559 = arith.index_cast %mul3A_556 : i32 to index
      %get3A_560 = tpu.vector_load %arg5[%get3A_558, %get3A_559] {strides = array<i32>} : memref<2x8192xf32, #tpu.memory_space<vmem>>, vector<16xf32>,
      %lt3A_561 = arith.cmpf olt, %get3A_560, %select_n3A_548 : vector<16xf32>
      %select_n3A_562 = arith.select %lt3A_561, %get3A_560, %select_n3A_548 : vector<16xi1>, vector<16xf32>
      %broadcast_in_dim3A_563 = vector.broadcast %add3A_554 : i32 to vector<16xi32>
      %select_n3A_564 = arith.select %lt3A_561, %broadcast_in_dim3A_563, %select_n3A_550 : vector<16xi1>, vector<16xi32>
      %mul3A_565 = arith.constant 4 : i32
      %mul3A_566 = arith.muli %scan3A_522, %mul3A_565 : i32
      %add3A_567 = arith.constant 3 : i32
      %add3A_568 = arith.addi %mul3A_566, %add3A_567 : i32
      %mul3A_569 = arith.constant 16 : i32
      %mul3A_570 = arith.muli %add3A_568, %mul3A_569 : i32
      %get3A_571 = arith.constant 0 : i32
      %get3A_572 = arith.index_cast %get3A_571 : i32 to index
      %get3A_573 = arith.index_cast %mul3A_570 : i32 to index
      %get3A_574 = tpu.vector_load %arg5[%get3A_572, %get3A_573] {strides = array<i32>} : memref<2x8192xf32, #tpu.memory_space<vmem>>, vector<16xf32>,
      %lt3A_575 = arith.cmpf olt, %get3A_574, %select_n3A_562 : vector<16xf32>
      %select_n3A_576 = arith.select %lt3A_575, %get3A_574, %select_n3A_562 : vector<16xi1>, vector<16xf32>
      %broadcast_in_dim3A_577 = vector.broadcast %add3A_568 : i32 to vector<16xi32>
      %select_n3A_578 = arith.select %lt3A_575, %broadcast_in_dim3A_577, %select_n3A_564 : vector<16xi1>, vector<16xi32>
      scf.yield %select_n3A_576, %select_n3A_578 : vector<16xf32>, vector<16xi32>
    }
    %scan3A_188 = arith.constant 128 : i32
    %reduce_min3A_189 = arith.constant true
    %reduce_min3A_190 = vector.broadcast %reduce_min3A_189 : i1 to vector<16xi1>
    %reduce_min3A_191 = tpu.scan <min>, %scan3A_187#0 masked %reduce_min3A_190 : vector<16xf32>, vector<16xi1> -> vector<16xf32>
    %reduce_min3A_192 = vector.extract %reduce_min3A_191[15] : f32 from vector<16xf32>
    %eq3A_193 = vector.broadcast %reduce_min3A_192 : f32 to vector<16xf32>
    %eq3A_194 = arith.cmpf oeq, %scan3A_187#0, %eq3A_193 : vector<16xf32>
    %mul3A_195 = arith.constant 16 : i32
    %mul3A_196 = vector.broadcast %mul3A_195 : i32 to vector<16xi32>
    %mul3A_197 = arith.muli %scan3A_187#1, %mul3A_196 : vector<16xi32>
    %add3A_198 = arith.addi %mul3A_197, %iota3A : vector<16xi32>
    %jit3A_199 = arith.constant 8192 : i32
    %broadcast_in_dim3A_200 = vector.broadcast %jit3A_199 : i32 to vector<16xi32>
    %select_n3A_201 = arith.select %eq3A_194, %add3A_198, %broadcast_in_dim3A_200 : vector<16xi1>, vector<16xi32>
    %reduce_min3A_202 = arith.constant true
    %reduce_min3A_203 = vector.broadcast %reduce_min3A_202 : i1 to vector<16xi1>
    %reduce_min3A_204 = arith.constant -2147483648 : i32
    %reduce_min3A_205 = vector.broadcast %reduce_min3A_204 : i32 to vector<16xi32>
    %reduce_min3A_206 = arith.xori %select_n3A_201, %reduce_min3A_205 : vector<16xi32>
    %reduce_min3A_207 = tpu.scan <min>, %reduce_min3A_206 masked %reduce_min3A_203 : vector<16xi32>, vector<16xi1> -> vector<16xi32>
    %reduce_min3A_208 = arith.xori %reduce_min3A_207, %reduce_min3A_205 : vector<16xi32>
    %reduce_min3A_209 = vector.extract %reduce_min3A_208[15] : i32 from vector<16xi32>
    %eq3A_210 = arith.constant 2 : i32
    %eq3A_211 = vector.broadcast %eq3A_210 : i32 to vector<16xi32>
    %eq3A_212 = arith.cmpi eq, %iota3A, %eq3A_211 : vector<16xi32>
    %broadcast_in_dim3A_213 = vector.broadcast %reduce_min3A_209 : i32 to vector<16xi32>
    %select_n3A_214 = arith.select %eq3A_212, %broadcast_in_dim3A_213, %select_n3A_150 : vector<16xi1>, vector<16xi32>
    %dma_start3A_215 = arith.constant 4 : i32
    %dma_start3A_216 = arith.constant 0 : i32
    %dma_start3A_217 = arith.constant 0 : i32
    %dma_start3A_218 = tpu.memref_slice %arg5[%dma_start3A_216, %dma_start3A_217] : memref<2x8192xf32, #tpu.memory_space<vmem>> -> memref<1x8192xf32, #tpu.memory_space<vmem>>
    %dma_start3A_219 = tpu.memref_squeeze %dma_start3A_218 : memref<1x8192xf32, #tpu.memory_space<vmem>> -> memref<8192xf32, #tpu.memory_space<vmem>>
    %dma_start3A_220 = arith.constant 0 : i32
    %dma_start3A_221 = tpu.memref_slice %arg4[%arg1, %dma_start3A_215, %dma_start3A_220] : memref<16x8x8192xf32, #tpu.memory_space<vmem_shared>> -> memref<1x1x8192xf32, #tpu.memory_space<vmem_shared>>
    %dma_start3A_222 = tpu.memref_squeeze %dma_start3A_221 : memref<1x1x8192xf32, #tpu.memory_space<vmem_shared>> -> memref<8192xf32, #tpu.memory_space<vmem_shared>>
    %dma_start3A_223 = arith.constant 0 : i32
    %dma_start3A_224 = tpu.memref_slice %arg5[%dma_start3A_216, %dma_start3A_223] : memref<2x8192xf32, #tpu.memory_space<vmem>> -> memref<1x8192xf32, #tpu.memory_space<vmem>>
    %dma_start3A_225 = tpu.memref_squeeze %dma_start3A_224 : memref<1x8192xf32, #tpu.memory_space<vmem>> -> memref<8192xf32, #tpu.memory_space<vmem>>
    %dma_start3A_226 = arith.constant 0 : i32
    %dma_start3A_227 = tpu.memref_slice %arg4[%arg1, %dma_start3A_215, %dma_start3A_226] : memref<16x8x8192xf32, #tpu.memory_space<vmem_shared>> -> memref<1x1x8192xf32, #tpu.memory_space<vmem_shared>>
    %dma_start3A_228 = tpu.memref_squeeze %dma_start3A_227 : memref<1x1x8192xf32, #tpu.memory_space<vmem_shared>> -> memref<8192xf32, #tpu.memory_space<vmem_shared>>
    tpu.enqueue_dma source(%dma_start3A_228 : memref<8192xf32, #tpu.memory_space<vmem_shared>>) target(%dma_start3A_225 : memref<8192xf32, #tpu.memory_space<vmem>>) target_semaphore(%arg8 : memref<!tpu.dma_semaphore, #tpu.memory_space<semaphore_mem>>)
    %dma_wait3A_229 = arith.constant 3 : i32
    %dma_wait3A_230 = arith.constant 1 : i32
    %dma_wait3A_231 = arith.constant 0 : i32
    %dma_wait3A_232 = tpu.memref_slice %arg5[%dma_wait3A_230, %dma_wait3A_231] : memref<2x8192xf32, #tpu.memory_space<vmem>> -> memref<1x8192xf32, #tpu.memory_space<vmem>>
    %dma_wait3A_233 = tpu.memref_squeeze %dma_wait3A_232 : memref<1x8192xf32, #tpu.memory_space<vmem>> -> memref<8192xf32, #tpu.memory_space<vmem>>
    %dma_wait3A_234 = arith.constant 0 : i32
    %dma_wait3A_235 = tpu.memref_slice %arg4[%arg1, %dma_wait3A_229, %dma_wait3A_234] : memref<16x8x8192xf32, #tpu.memory_space<vmem_shared>> -> memref<1x1x8192xf32, #tpu.memory_space<vmem_shared>>
    %dma_wait3A_236 = tpu.memref_squeeze %dma_wait3A_235 : memref<1x1x8192xf32, #tpu.memory_space<vmem_shared>> -> memref<8192xf32, #tpu.memory_space<vmem_shared>>
    %dma_wait3A_237 = arith.constant 0 : i32
    %dma_wait3A_238 = tpu.memref_slice %arg5[%dma_wait3A_230, %dma_wait3A_237] : memref<2x8192xf32, #tpu.memory_space<vmem>> -> memref<1x8192xf32, #tpu.memory_space<vmem>>
    %dma_wait3A_239 = tpu.memref_squeeze %dma_wait3A_238 : memref<1x8192xf32, #tpu.memory_space<vmem>> -> memref<8192xf32, #tpu.memory_space<vmem>>
    %dma_wait3A_240 = arith.constant 0 : i32
    %dma_wait3A_241 = tpu.memref_slice %arg4[%arg1, %dma_wait3A_229, %dma_wait3A_240] : memref<16x8x8192xf32, #tpu.memory_space<vmem_shared>> -> memref<1x1x8192xf32, #tpu.memory_space<vmem_shared>>
    %dma_wait3A_242 = tpu.memref_squeeze %dma_wait3A_241 : memref<1x1x8192xf32, #tpu.memory_space<vmem_shared>> -> memref<8192xf32, #tpu.memory_space<vmem_shared>>
    tpu.wait_dma2 semaphore(%arg9 : memref<!tpu.dma_semaphore, #tpu.memory_space<semaphore_mem>>) src(%dma_wait3A_242 : memref<8192xf32, #tpu.memory_space<vmem_shared>>) dst(%dma_wait3A_239 : memref<8192xf32, #tpu.memory_space<vmem>>)
    %broadcast_in_dim3A_243 = arith.constant 0x7F800000 : f32
    %broadcast_in_dim3A_244 = vector.broadcast %broadcast_in_dim3A_243 : f32 to vector<16xf32>
    %broadcast_in_dim3A_245 = arith.constant 0 : i32
    %broadcast_in_dim3A_246 = vector.broadcast %broadcast_in_dim3A_245 : i32 to vector<16xi32>
    %scan3A_247 = arith.constant 0 : i32
    %scan3A_248 = arith.constant 128 : i32
    %scan3A_249 = arith.addi %scan3A_247, %scan3A_248 : i32
    %scan3A_250 = arith.constant 1 : i32
    %scan3A_251:2 = scf.for %scan3A_522 = %scan3A_247 to %scan3A_249 step %scan3A_250 iter_args(%scan3A_523 = %broadcast_in_dim3A_244, %scan3A_524 = %broadcast_in_dim3A_246) -> (vector<16xf32>, vector<16xi32>)  : i32 {
      %mul3A_525 = arith.constant 4 : i32
      %mul3A_526 = arith.muli %scan3A_522, %mul3A_525 : i32
      %add3A_527 = arith.constant 0 : i32
      %add3A_528 = arith.addi %mul3A_526, %add3A_527 : i32
      %mul3A_529 = arith.constant 16 : i32
      %mul3A_530 = arith.muli %add3A_528, %mul3A_529 : i32
      %get3A = arith.constant 1 : i32
      %get3A_531 = arith.index_cast %get3A : i32 to index
      %get3A_532 = arith.index_cast %mul3A_530 : i32 to index
      %get3A_533 = tpu.vector_load %arg5[%get3A_531, %get3A_532] {strides = array<i32>} : memref<2x8192xf32, #tpu.memory_space<vmem>>, vector<16xf32>,
      %lt3A = arith.cmpf olt, %get3A_533, %scan3A_523 : vector<16xf32>
      %select_n3A_534 = arith.select %lt3A, %get3A_533, %scan3A_523 : vector<16xi1>, vector<16xf32>
      %broadcast_in_dim3A_535 = vector.broadcast %add3A_528 : i32 to vector<16xi32>
      %select_n3A_536 = arith.select %lt3A, %broadcast_in_dim3A_535, %scan3A_524 : vector<16xi1>, vector<16xi32>
      %mul3A_537 = arith.constant 4 : i32
      %mul3A_538 = arith.muli %scan3A_522, %mul3A_537 : i32
      %add3A_539 = arith.constant 1 : i32
      %add3A_540 = arith.addi %mul3A_538, %add3A_539 : i32
      %mul3A_541 = arith.constant 16 : i32
      %mul3A_542 = arith.muli %add3A_540, %mul3A_541 : i32
      %get3A_543 = arith.constant 1 : i32
      %get3A_544 = arith.index_cast %get3A_543 : i32 to index
      %get3A_545 = arith.index_cast %mul3A_542 : i32 to index
      %get3A_546 = tpu.vector_load %arg5[%get3A_544, %get3A_545] {strides = array<i32>} : memref<2x8192xf32, #tpu.memory_space<vmem>>, vector<16xf32>,
      %lt3A_547 = arith.cmpf olt, %get3A_546, %select_n3A_534 : vector<16xf32>
      %select_n3A_548 = arith.select %lt3A_547, %get3A_546, %select_n3A_534 : vector<16xi1>, vector<16xf32>
      %broadcast_in_dim3A_549 = vector.broadcast %add3A_540 : i32 to vector<16xi32>
      %select_n3A_550 = arith.select %lt3A_547, %broadcast_in_dim3A_549, %select_n3A_536 : vector<16xi1>, vector<16xi32>
      %mul3A_551 = arith.constant 4 : i32
      %mul3A_552 = arith.muli %scan3A_522, %mul3A_551 : i32
      %add3A_553 = arith.constant 2 : i32
      %add3A_554 = arith.addi %mul3A_552, %add3A_553 : i32
      %mul3A_555 = arith.constant 16 : i32
      %mul3A_556 = arith.muli %add3A_554, %mul3A_555 : i32
      %get3A_557 = arith.constant 1 : i32
      %get3A_558 = arith.index_cast %get3A_557 : i32 to index
      %get3A_559 = arith.index_cast %mul3A_556 : i32 to index
      %get3A_560 = tpu.vector_load %arg5[%get3A_558, %get3A_559] {strides = array<i32>} : memref<2x8192xf32, #tpu.memory_space<vmem>>, vector<16xf32>,
      %lt3A_561 = arith.cmpf olt, %get3A_560, %select_n3A_548 : vector<16xf32>
      %select_n3A_562 = arith.select %lt3A_561, %get3A_560, %select_n3A_548 : vector<16xi1>, vector<16xf32>
      %broadcast_in_dim3A_563 = vector.broadcast %add3A_554 : i32 to vector<16xi32>
      %select_n3A_564 = arith.select %lt3A_561, %broadcast_in_dim3A_563, %select_n3A_550 : vector<16xi1>, vector<16xi32>
      %mul3A_565 = arith.constant 4 : i32
      %mul3A_566 = arith.muli %scan3A_522, %mul3A_565 : i32
      %add3A_567 = arith.constant 3 : i32
      %add3A_568 = arith.addi %mul3A_566, %add3A_567 : i32
      %mul3A_569 = arith.constant 16 : i32
      %mul3A_570 = arith.muli %add3A_568, %mul3A_569 : i32
      %get3A_571 = arith.constant 1 : i32
      %get3A_572 = arith.index_cast %get3A_571 : i32 to index
      %get3A_573 = arith.index_cast %mul3A_570 : i32 to index
      %get3A_574 = tpu.vector_load %arg5[%get3A_572, %get3A_573] {strides = array<i32>} : memref<2x8192xf32, #tpu.memory_space<vmem>>, vector<16xf32>,
      %lt3A_575 = arith.cmpf olt, %get3A_574, %select_n3A_562 : vector<16xf32>
      %select_n3A_576 = arith.select %lt3A_575, %get3A_574, %select_n3A_562 : vector<16xi1>, vector<16xf32>
      %broadcast_in_dim3A_577 = vector.broadcast %add3A_568 : i32 to vector<16xi32>
      %select_n3A_578 = arith.select %lt3A_575, %broadcast_in_dim3A_577, %select_n3A_564 : vector<16xi1>, vector<16xi32>
      scf.yield %select_n3A_576, %select_n3A_578 : vector<16xf32>, vector<16xi32>
    }
    %scan3A_252 = arith.constant 128 : i32
    %reduce_min3A_253 = arith.constant true
    %reduce_min3A_254 = vector.broadcast %reduce_min3A_253 : i1 to vector<16xi1>
    %reduce_min3A_255 = tpu.scan <min>, %scan3A_251#0 masked %reduce_min3A_254 : vector<16xf32>, vector<16xi1> -> vector<16xf32>
    %reduce_min3A_256 = vector.extract %reduce_min3A_255[15] : f32 from vector<16xf32>
    %eq3A_257 = vector.broadcast %reduce_min3A_256 : f32 to vector<16xf32>
    %eq3A_258 = arith.cmpf oeq, %scan3A_251#0, %eq3A_257 : vector<16xf32>
    %mul3A_259 = arith.constant 16 : i32
    %mul3A_260 = vector.broadcast %mul3A_259 : i32 to vector<16xi32>
    %mul3A_261 = arith.muli %scan3A_251#1, %mul3A_260 : vector<16xi32>
    %add3A_262 = arith.addi %mul3A_261, %iota3A : vector<16xi32>
    %jit3A_263 = arith.constant 8192 : i32
    %broadcast_in_dim3A_264 = vector.broadcast %jit3A_263 : i32 to vector<16xi32>
    %select_n3A_265 = arith.select %eq3A_258, %add3A_262, %broadcast_in_dim3A_264 : vector<16xi1>, vector<16xi32>
    %reduce_min3A_266 = arith.constant true
    %reduce_min3A_267 = vector.broadcast %reduce_min3A_266 : i1 to vector<16xi1>
    %reduce_min3A_268 = arith.constant -2147483648 : i32
    %reduce_min3A_269 = vector.broadcast %reduce_min3A_268 : i32 to vector<16xi32>
    %reduce_min3A_270 = arith.xori %select_n3A_265, %reduce_min3A_269 : vector<16xi32>
    %reduce_min3A_271 = tpu.scan <min>, %reduce_min3A_270 masked %reduce_min3A_267 : vector<16xi32>, vector<16xi1> -> vector<16xi32>
    %reduce_min3A_272 = arith.xori %reduce_min3A_271, %reduce_min3A_269 : vector<16xi32>
    %reduce_min3A_273 = vector.extract %reduce_min3A_272[15] : i32 from vector<16xi32>
    %eq3A_274 = arith.constant 3 : i32
    %eq3A_275 = vector.broadcast %eq3A_274 : i32 to vector<16xi32>
    %eq3A_276 = arith.cmpi eq, %iota3A, %eq3A_275 : vector<16xi32>
    %broadcast_in_dim3A_277 = vector.broadcast %reduce_min3A_273 : i32 to vector<16xi32>
    %select_n3A_278 = arith.select %eq3A_276, %broadcast_in_dim3A_277, %select_n3A_214 : vector<16xi1>, vector<16xi32>
    %dma_start3A_279 = arith.constant 5 : i32
    %dma_start3A_280 = arith.constant 1 : i32
    %dma_start3A_281 = arith.constant 0 : i32
    %dma_start3A_282 = tpu.memref_slice %arg5[%dma_start3A_280, %dma_start3A_281] : memref<2x8192xf32, #tpu.memory_space<vmem>> -> memref<1x8192xf32, #tpu.memory_space<vmem>>
    %dma_start3A_283 = tpu.memref_squeeze %dma_start3A_282 : memref<1x8192xf32, #tpu.memory_space<vmem>> -> memref<8192xf32, #tpu.memory_space<vmem>>
    %dma_start3A_284 = arith.constant 0 : i32
    %dma_start3A_285 = tpu.memref_slice %arg4[%arg1, %dma_start3A_279, %dma_start3A_284] : memref<16x8x8192xf32, #tpu.memory_space<vmem_shared>> -> memref<1x1x8192xf32, #tpu.memory_space<vmem_shared>>
    %dma_start3A_286 = tpu.memref_squeeze %dma_start3A_285 : memref<1x1x8192xf32, #tpu.memory_space<vmem_shared>> -> memref<8192xf32, #tpu.memory_space<vmem_shared>>
    %dma_start3A_287 = arith.constant 0 : i32
    %dma_start3A_288 = tpu.memref_slice %arg5[%dma_start3A_280, %dma_start3A_287] : memref<2x8192xf32, #tpu.memory_space<vmem>> -> memref<1x8192xf32, #tpu.memory_space<vmem>>
    %dma_start3A_289 = tpu.memref_squeeze %dma_start3A_288 : memref<1x8192xf32, #tpu.memory_space<vmem>> -> memref<8192xf32, #tpu.memory_space<vmem>>
    %dma_start3A_290 = arith.constant 0 : i32
    %dma_start3A_291 = tpu.memref_slice %arg4[%arg1, %dma_start3A_279, %dma_start3A_290] : memref<16x8x8192xf32, #tpu.memory_space<vmem_shared>> -> memref<1x1x8192xf32, #tpu.memory_space<vmem_shared>>
    %dma_start3A_292 = tpu.memref_squeeze %dma_start3A_291 : memref<1x1x8192xf32, #tpu.memory_space<vmem_shared>> -> memref<8192xf32, #tpu.memory_space<vmem_shared>>
    tpu.enqueue_dma source(%dma_start3A_292 : memref<8192xf32, #tpu.memory_space<vmem_shared>>) target(%dma_start3A_289 : memref<8192xf32, #tpu.memory_space<vmem>>) target_semaphore(%arg9 : memref<!tpu.dma_semaphore, #tpu.memory_space<semaphore_mem>>)
    %dma_wait3A_293 = arith.constant 4 : i32
    %dma_wait3A_294 = arith.constant 0 : i32
    %dma_wait3A_295 = arith.constant 0 : i32
    %dma_wait3A_296 = tpu.memref_slice %arg5[%dma_wait3A_294, %dma_wait3A_295] : memref<2x8192xf32, #tpu.memory_space<vmem>> -> memref<1x8192xf32, #tpu.memory_space<vmem>>
    %dma_wait3A_297 = tpu.memref_squeeze %dma_wait3A_296 : memref<1x8192xf32, #tpu.memory_space<vmem>> -> memref<8192xf32, #tpu.memory_space<vmem>>
    %dma_wait3A_298 = arith.constant 0 : i32
    %dma_wait3A_299 = tpu.memref_slice %arg4[%arg1, %dma_wait3A_293, %dma_wait3A_298] : memref<16x8x8192xf32, #tpu.memory_space<vmem_shared>> -> memref<1x1x8192xf32, #tpu.memory_space<vmem_shared>>
    %dma_wait3A_300 = tpu.memref_squeeze %dma_wait3A_299 : memref<1x1x8192xf32, #tpu.memory_space<vmem_shared>> -> memref<8192xf32, #tpu.memory_space<vmem_shared>>
    %dma_wait3A_301 = arith.constant 0 : i32
    %dma_wait3A_302 = tpu.memref_slice %arg5[%dma_wait3A_294, %dma_wait3A_301] : memref<2x8192xf32, #tpu.memory_space<vmem>> -> memref<1x8192xf32, #tpu.memory_space<vmem>>
    %dma_wait3A_303 = tpu.memref_squeeze %dma_wait3A_302 : memref<1x8192xf32, #tpu.memory_space<vmem>> -> memref<8192xf32, #tpu.memory_space<vmem>>
    %dma_wait3A_304 = arith.constant 0 : i32
    %dma_wait3A_305 = tpu.memref_slice %arg4[%arg1, %dma_wait3A_293, %dma_wait3A_304] : memref<16x8x8192xf32, #tpu.memory_space<vmem_shared>> -> memref<1x1x8192xf32, #tpu.memory_space<vmem_shared>>
    %dma_wait3A_306 = tpu.memref_squeeze %dma_wait3A_305 : memref<1x1x8192xf32, #tpu.memory_space<vmem_shared>> -> memref<8192xf32, #tpu.memory_space<vmem_shared>>
    tpu.wait_dma2 semaphore(%arg8 : memref<!tpu.dma_semaphore, #tpu.memory_space<semaphore_mem>>) src(%dma_wait3A_306 : memref<8192xf32, #tpu.memory_space<vmem_shared>>) dst(%dma_wait3A_303 : memref<8192xf32, #tpu.memory_space<vmem>>)
    %broadcast_in_dim3A_307 = arith.constant 0x7F800000 : f32
    %broadcast_in_dim3A_308 = vector.broadcast %broadcast_in_dim3A_307 : f32 to vector<16xf32>
    %broadcast_in_dim3A_309 = arith.constant 0 : i32
    %broadcast_in_dim3A_310 = vector.broadcast %broadcast_in_dim3A_309 : i32 to vector<16xi32>
    %scan3A_311 = arith.constant 0 : i32
    %scan3A_312 = arith.constant 128 : i32
    %scan3A_313 = arith.addi %scan3A_311, %scan3A_312 : i32
    %scan3A_314 = arith.constant 1 : i32
    %scan3A_315:2 = scf.for %scan3A_522 = %scan3A_311 to %scan3A_313 step %scan3A_314 iter_args(%scan3A_523 = %broadcast_in_dim3A_308, %scan3A_524 = %broadcast_in_dim3A_310) -> (vector<16xf32>, vector<16xi32>)  : i32 {
      %mul3A_525 = arith.constant 4 : i32
      %mul3A_526 = arith.muli %scan3A_522, %mul3A_525 : i32
      %add3A_527 = arith.constant 0 : i32
      %add3A_528 = arith.addi %mul3A_526, %add3A_527 : i32
      %mul3A_529 = arith.constant 16 : i32
      %mul3A_530 = arith.muli %add3A_528, %mul3A_529 : i32
      %get3A = arith.constant 0 : i32
      %get3A_531 = arith.index_cast %get3A : i32 to index
      %get3A_532 = arith.index_cast %mul3A_530 : i32 to index
      %get3A_533 = tpu.vector_load %arg5[%get3A_531, %get3A_532] {strides = array<i32>} : memref<2x8192xf32, #tpu.memory_space<vmem>>, vector<16xf32>,
      %lt3A = arith.cmpf olt, %get3A_533, %scan3A_523 : vector<16xf32>
      %select_n3A_534 = arith.select %lt3A, %get3A_533, %scan3A_523 : vector<16xi1>, vector<16xf32>
      %broadcast_in_dim3A_535 = vector.broadcast %add3A_528 : i32 to vector<16xi32>
      %select_n3A_536 = arith.select %lt3A, %broadcast_in_dim3A_535, %scan3A_524 : vector<16xi1>, vector<16xi32>
      %mul3A_537 = arith.constant 4 : i32
      %mul3A_538 = arith.muli %scan3A_522, %mul3A_537 : i32
      %add3A_539 = arith.constant 1 : i32
      %add3A_540 = arith.addi %mul3A_538, %add3A_539 : i32
      %mul3A_541 = arith.constant 16 : i32
      %mul3A_542 = arith.muli %add3A_540, %mul3A_541 : i32
      %get3A_543 = arith.constant 0 : i32
      %get3A_544 = arith.index_cast %get3A_543 : i32 to index
      %get3A_545 = arith.index_cast %mul3A_542 : i32 to index
      %get3A_546 = tpu.vector_load %arg5[%get3A_544, %get3A_545] {strides = array<i32>} : memref<2x8192xf32, #tpu.memory_space<vmem>>, vector<16xf32>,
      %lt3A_547 = arith.cmpf olt, %get3A_546, %select_n3A_534 : vector<16xf32>
      %select_n3A_548 = arith.select %lt3A_547, %get3A_546, %select_n3A_534 : vector<16xi1>, vector<16xf32>
      %broadcast_in_dim3A_549 = vector.broadcast %add3A_540 : i32 to vector<16xi32>
      %select_n3A_550 = arith.select %lt3A_547, %broadcast_in_dim3A_549, %select_n3A_536 : vector<16xi1>, vector<16xi32>
      %mul3A_551 = arith.constant 4 : i32
      %mul3A_552 = arith.muli %scan3A_522, %mul3A_551 : i32
      %add3A_553 = arith.constant 2 : i32
      %add3A_554 = arith.addi %mul3A_552, %add3A_553 : i32
      %mul3A_555 = arith.constant 16 : i32
      %mul3A_556 = arith.muli %add3A_554, %mul3A_555 : i32
      %get3A_557 = arith.constant 0 : i32
      %get3A_558 = arith.index_cast %get3A_557 : i32 to index
      %get3A_559 = arith.index_cast %mul3A_556 : i32 to index
      %get3A_560 = tpu.vector_load %arg5[%get3A_558, %get3A_559] {strides = array<i32>} : memref<2x8192xf32, #tpu.memory_space<vmem>>, vector<16xf32>,
      %lt3A_561 = arith.cmpf olt, %get3A_560, %select_n3A_548 : vector<16xf32>
      %select_n3A_562 = arith.select %lt3A_561, %get3A_560, %select_n3A_548 : vector<16xi1>, vector<16xf32>
      %broadcast_in_dim3A_563 = vector.broadcast %add3A_554 : i32 to vector<16xi32>
      %select_n3A_564 = arith.select %lt3A_561, %broadcast_in_dim3A_563, %select_n3A_550 : vector<16xi1>, vector<16xi32>
      %mul3A_565 = arith.constant 4 : i32
      %mul3A_566 = arith.muli %scan3A_522, %mul3A_565 : i32
      %add3A_567 = arith.constant 3 : i32
      %add3A_568 = arith.addi %mul3A_566, %add3A_567 : i32
      %mul3A_569 = arith.constant 16 : i32
      %mul3A_570 = arith.muli %add3A_568, %mul3A_569 : i32
      %get3A_571 = arith.constant 0 : i32
      %get3A_572 = arith.index_cast %get3A_571 : i32 to index
      %get3A_573 = arith.index_cast %mul3A_570 : i32 to index
      %get3A_574 = tpu.vector_load %arg5[%get3A_572, %get3A_573] {strides = array<i32>} : memref<2x8192xf32, #tpu.memory_space<vmem>>, vector<16xf32>,
      %lt3A_575 = arith.cmpf olt, %get3A_574, %select_n3A_562 : vector<16xf32>
      %select_n3A_576 = arith.select %lt3A_575, %get3A_574, %select_n3A_562 : vector<16xi1>, vector<16xf32>
      %broadcast_in_dim3A_577 = vector.broadcast %add3A_568 : i32 to vector<16xi32>
      %select_n3A_578 = arith.select %lt3A_575, %broadcast_in_dim3A_577, %select_n3A_564 : vector<16xi1>, vector<16xi32>
      scf.yield %select_n3A_576, %select_n3A_578 : vector<16xf32>, vector<16xi32>
    }
    %scan3A_316 = arith.constant 128 : i32
    %reduce_min3A_317 = arith.constant true
    %reduce_min3A_318 = vector.broadcast %reduce_min3A_317 : i1 to vector<16xi1>
    %reduce_min3A_319 = tpu.scan <min>, %scan3A_315#0 masked %reduce_min3A_318 : vector<16xf32>, vector<16xi1> -> vector<16xf32>
    %reduce_min3A_320 = vector.extract %reduce_min3A_319[15] : f32 from vector<16xf32>
    %eq3A_321 = vector.broadcast %reduce_min3A_320 : f32 to vector<16xf32>
    %eq3A_322 = arith.cmpf oeq, %scan3A_315#0, %eq3A_321 : vector<16xf32>
    %mul3A_323 = arith.constant 16 : i32
    %mul3A_324 = vector.broadcast %mul3A_323 : i32 to vector<16xi32>
    %mul3A_325 = arith.muli %scan3A_315#1, %mul3A_324 : vector<16xi32>
    %add3A_326 = arith.addi %mul3A_325, %iota3A : vector<16xi32>
    %jit3A_327 = arith.constant 8192 : i32
    %broadcast_in_dim3A_328 = vector.broadcast %jit3A_327 : i32 to vector<16xi32>
    %select_n3A_329 = arith.select %eq3A_322, %add3A_326, %broadcast_in_dim3A_328 : vector<16xi1>, vector<16xi32>
    %reduce_min3A_330 = arith.constant true
    %reduce_min3A_331 = vector.broadcast %reduce_min3A_330 : i1 to vector<16xi1>
    %reduce_min3A_332 = arith.constant -2147483648 : i32
    %reduce_min3A_333 = vector.broadcast %reduce_min3A_332 : i32 to vector<16xi32>
    %reduce_min3A_334 = arith.xori %select_n3A_329, %reduce_min3A_333 : vector<16xi32>
    %reduce_min3A_335 = tpu.scan <min>, %reduce_min3A_334 masked %reduce_min3A_331 : vector<16xi32>, vector<16xi1> -> vector<16xi32>
    %reduce_min3A_336 = arith.xori %reduce_min3A_335, %reduce_min3A_333 : vector<16xi32>
    %reduce_min3A_337 = vector.extract %reduce_min3A_336[15] : i32 from vector<16xi32>
    %eq3A_338 = arith.constant 4 : i32
    %eq3A_339 = vector.broadcast %eq3A_338 : i32 to vector<16xi32>
    %eq3A_340 = arith.cmpi eq, %iota3A, %eq3A_339 : vector<16xi32>
    %broadcast_in_dim3A_341 = vector.broadcast %reduce_min3A_337 : i32 to vector<16xi32>
    %select_n3A_342 = arith.select %eq3A_340, %broadcast_in_dim3A_341, %select_n3A_278 : vector<16xi1>, vector<16xi32>
    %dma_start3A_343 = arith.constant 6 : i32
    %dma_start3A_344 = arith.constant 0 : i32
    %dma_start3A_345 = arith.constant 0 : i32
    %dma_start3A_346 = tpu.memref_slice %arg5[%dma_start3A_344, %dma_start3A_345] : memref<2x8192xf32, #tpu.memory_space<vmem>> -> memref<1x8192xf32, #tpu.memory_space<vmem>>
    %dma_start3A_347 = tpu.memref_squeeze %dma_start3A_346 : memref<1x8192xf32, #tpu.memory_space<vmem>> -> memref<8192xf32, #tpu.memory_space<vmem>>
    %dma_start3A_348 = arith.constant 0 : i32
    %dma_start3A_349 = tpu.memref_slice %arg4[%arg1, %dma_start3A_343, %dma_start3A_348] : memref<16x8x8192xf32, #tpu.memory_space<vmem_shared>> -> memref<1x1x8192xf32, #tpu.memory_space<vmem_shared>>
    %dma_start3A_350 = tpu.memref_squeeze %dma_start3A_349 : memref<1x1x8192xf32, #tpu.memory_space<vmem_shared>> -> memref<8192xf32, #tpu.memory_space<vmem_shared>>
    %dma_start3A_351 = arith.constant 0 : i32
    %dma_start3A_352 = tpu.memref_slice %arg5[%dma_start3A_344, %dma_start3A_351] : memref<2x8192xf32, #tpu.memory_space<vmem>> -> memref<1x8192xf32, #tpu.memory_space<vmem>>
    %dma_start3A_353 = tpu.memref_squeeze %dma_start3A_352 : memref<1x8192xf32, #tpu.memory_space<vmem>> -> memref<8192xf32, #tpu.memory_space<vmem>>
    %dma_start3A_354 = arith.constant 0 : i32
    %dma_start3A_355 = tpu.memref_slice %arg4[%arg1, %dma_start3A_343, %dma_start3A_354] : memref<16x8x8192xf32, #tpu.memory_space<vmem_shared>> -> memref<1x1x8192xf32, #tpu.memory_space<vmem_shared>>
    %dma_start3A_356 = tpu.memref_squeeze %dma_start3A_355 : memref<1x1x8192xf32, #tpu.memory_space<vmem_shared>> -> memref<8192xf32, #tpu.memory_space<vmem_shared>>
    tpu.enqueue_dma source(%dma_start3A_356 : memref<8192xf32, #tpu.memory_space<vmem_shared>>) target(%dma_start3A_353 : memref<8192xf32, #tpu.memory_space<vmem>>) target_semaphore(%arg8 : memref<!tpu.dma_semaphore, #tpu.memory_space<semaphore_mem>>)
    %dma_wait3A_357 = arith.constant 5 : i32
    %dma_wait3A_358 = arith.constant 1 : i32
    %dma_wait3A_359 = arith.constant 0 : i32
    %dma_wait3A_360 = tpu.memref_slice %arg5[%dma_wait3A_358, %dma_wait3A_359] : memref<2x8192xf32, #tpu.memory_space<vmem>> -> memref<1x8192xf32, #tpu.memory_space<vmem>>
    %dma_wait3A_361 = tpu.memref_squeeze %dma_wait3A_360 : memref<1x8192xf32, #tpu.memory_space<vmem>> -> memref<8192xf32, #tpu.memory_space<vmem>>
    %dma_wait3A_362 = arith.constant 0 : i32
    %dma_wait3A_363 = tpu.memref_slice %arg4[%arg1, %dma_wait3A_357, %dma_wait3A_362] : memref<16x8x8192xf32, #tpu.memory_space<vmem_shared>> -> memref<1x1x8192xf32, #tpu.memory_space<vmem_shared>>
    %dma_wait3A_364 = tpu.memref_squeeze %dma_wait3A_363 : memref<1x1x8192xf32, #tpu.memory_space<vmem_shared>> -> memref<8192xf32, #tpu.memory_space<vmem_shared>>
    %dma_wait3A_365 = arith.constant 0 : i32
    %dma_wait3A_366 = tpu.memref_slice %arg5[%dma_wait3A_358, %dma_wait3A_365] : memref<2x8192xf32, #tpu.memory_space<vmem>> -> memref<1x8192xf32, #tpu.memory_space<vmem>>
    %dma_wait3A_367 = tpu.memref_squeeze %dma_wait3A_366 : memref<1x8192xf32, #tpu.memory_space<vmem>> -> memref<8192xf32, #tpu.memory_space<vmem>>
    %dma_wait3A_368 = arith.constant 0 : i32
    %dma_wait3A_369 = tpu.memref_slice %arg4[%arg1, %dma_wait3A_357, %dma_wait3A_368] : memref<16x8x8192xf32, #tpu.memory_space<vmem_shared>> -> memref<1x1x8192xf32, #tpu.memory_space<vmem_shared>>
    %dma_wait3A_370 = tpu.memref_squeeze %dma_wait3A_369 : memref<1x1x8192xf32, #tpu.memory_space<vmem_shared>> -> memref<8192xf32, #tpu.memory_space<vmem_shared>>
    tpu.wait_dma2 semaphore(%arg9 : memref<!tpu.dma_semaphore, #tpu.memory_space<semaphore_mem>>) src(%dma_wait3A_370 : memref<8192xf32, #tpu.memory_space<vmem_shared>>) dst(%dma_wait3A_367 : memref<8192xf32, #tpu.memory_space<vmem>>)
    %broadcast_in_dim3A_371 = arith.constant 0x7F800000 : f32
    %broadcast_in_dim3A_372 = vector.broadcast %broadcast_in_dim3A_371 : f32 to vector<16xf32>
    %broadcast_in_dim3A_373 = arith.constant 0 : i32
    %broadcast_in_dim3A_374 = vector.broadcast %broadcast_in_dim3A_373 : i32 to vector<16xi32>
    %scan3A_375 = arith.constant 0 : i32
    %scan3A_376 = arith.constant 128 : i32
    %scan3A_377 = arith.addi %scan3A_375, %scan3A_376 : i32
    %scan3A_378 = arith.constant 1 : i32
    %scan3A_379:2 = scf.for %scan3A_522 = %scan3A_375 to %scan3A_377 step %scan3A_378 iter_args(%scan3A_523 = %broadcast_in_dim3A_372, %scan3A_524 = %broadcast_in_dim3A_374) -> (vector<16xf32>, vector<16xi32>)  : i32 {
      %mul3A_525 = arith.constant 4 : i32
      %mul3A_526 = arith.muli %scan3A_522, %mul3A_525 : i32
      %add3A_527 = arith.constant 0 : i32
      %add3A_528 = arith.addi %mul3A_526, %add3A_527 : i32
      %mul3A_529 = arith.constant 16 : i32
      %mul3A_530 = arith.muli %add3A_528, %mul3A_529 : i32
      %get3A = arith.constant 1 : i32
      %get3A_531 = arith.index_cast %get3A : i32 to index
      %get3A_532 = arith.index_cast %mul3A_530 : i32 to index
      %get3A_533 = tpu.vector_load %arg5[%get3A_531, %get3A_532] {strides = array<i32>} : memref<2x8192xf32, #tpu.memory_space<vmem>>, vector<16xf32>,
      %lt3A = arith.cmpf olt, %get3A_533, %scan3A_523 : vector<16xf32>
      %select_n3A_534 = arith.select %lt3A, %get3A_533, %scan3A_523 : vector<16xi1>, vector<16xf32>
      %broadcast_in_dim3A_535 = vector.broadcast %add3A_528 : i32 to vector<16xi32>
      %select_n3A_536 = arith.select %lt3A, %broadcast_in_dim3A_535, %scan3A_524 : vector<16xi1>, vector<16xi32>
      %mul3A_537 = arith.constant 4 : i32
      %mul3A_538 = arith.muli %scan3A_522, %mul3A_537 : i32
      %add3A_539 = arith.constant 1 : i32
      %add3A_540 = arith.addi %mul3A_538, %add3A_539 : i32
      %mul3A_541 = arith.constant 16 : i32
      %mul3A_542 = arith.muli %add3A_540, %mul3A_541 : i32
      %get3A_543 = arith.constant 1 : i32
      %get3A_544 = arith.index_cast %get3A_543 : i32 to index
      %get3A_545 = arith.index_cast %mul3A_542 : i32 to index
      %get3A_546 = tpu.vector_load %arg5[%get3A_544, %get3A_545] {strides = array<i32>} : memref<2x8192xf32, #tpu.memory_space<vmem>>, vector<16xf32>,
      %lt3A_547 = arith.cmpf olt, %get3A_546, %select_n3A_534 : vector<16xf32>
      %select_n3A_548 = arith.select %lt3A_547, %get3A_546, %select_n3A_534 : vector<16xi1>, vector<16xf32>
      %broadcast_in_dim3A_549 = vector.broadcast %add3A_540 : i32 to vector<16xi32>
      %select_n3A_550 = arith.select %lt3A_547, %broadcast_in_dim3A_549, %select_n3A_536 : vector<16xi1>, vector<16xi32>
      %mul3A_551 = arith.constant 4 : i32
      %mul3A_552 = arith.muli %scan3A_522, %mul3A_551 : i32
      %add3A_553 = arith.constant 2 : i32
      %add3A_554 = arith.addi %mul3A_552, %add3A_553 : i32
      %mul3A_555 = arith.constant 16 : i32
      %mul3A_556 = arith.muli %add3A_554, %mul3A_555 : i32
      %get3A_557 = arith.constant 1 : i32
      %get3A_558 = arith.index_cast %get3A_557 : i32 to index
      %get3A_559 = arith.index_cast %mul3A_556 : i32 to index
      %get3A_560 = tpu.vector_load %arg5[%get3A_558, %get3A_559] {strides = array<i32>} : memref<2x8192xf32, #tpu.memory_space<vmem>>, vector<16xf32>,
      %lt3A_561 = arith.cmpf olt, %get3A_560, %select_n3A_548 : vector<16xf32>
      %select_n3A_562 = arith.select %lt3A_561, %get3A_560, %select_n3A_548 : vector<16xi1>, vector<16xf32>
      %broadcast_in_dim3A_563 = vector.broadcast %add3A_554 : i32 to vector<16xi32>
      %select_n3A_564 = arith.select %lt3A_561, %broadcast_in_dim3A_563, %select_n3A_550 : vector<16xi1>, vector<16xi32>
      %mul3A_565 = arith.constant 4 : i32
      %mul3A_566 = arith.muli %scan3A_522, %mul3A_565 : i32
      %add3A_567 = arith.constant 3 : i32
      %add3A_568 = arith.addi %mul3A_566, %add3A_567 : i32
      %mul3A_569 = arith.constant 16 : i32
      %mul3A_570 = arith.muli %add3A_568, %mul3A_569 : i32
      %get3A_571 = arith.constant 1 : i32
      %get3A_572 = arith.index_cast %get3A_571 : i32 to index
      %get3A_573 = arith.index_cast %mul3A_570 : i32 to index
      %get3A_574 = tpu.vector_load %arg5[%get3A_572, %get3A_573] {strides = array<i32>} : memref<2x8192xf32, #tpu.memory_space<vmem>>, vector<16xf32>,
      %lt3A_575 = arith.cmpf olt, %get3A_574, %select_n3A_562 : vector<16xf32>
      %select_n3A_576 = arith.select %lt3A_575, %get3A_574, %select_n3A_562 : vector<16xi1>, vector<16xf32>
      %broadcast_in_dim3A_577 = vector.broadcast %add3A_568 : i32 to vector<16xi32>
      %select_n3A_578 = arith.select %lt3A_575, %broadcast_in_dim3A_577, %select_n3A_564 : vector<16xi1>, vector<16xi32>
      scf.yield %select_n3A_576, %select_n3A_578 : vector<16xf32>, vector<16xi32>
    }
    %scan3A_380 = arith.constant 128 : i32
    %reduce_min3A_381 = arith.constant true
    %reduce_min3A_382 = vector.broadcast %reduce_min3A_381 : i1 to vector<16xi1>
    %reduce_min3A_383 = tpu.scan <min>, %scan3A_379#0 masked %reduce_min3A_382 : vector<16xf32>, vector<16xi1> -> vector<16xf32>
    %reduce_min3A_384 = vector.extract %reduce_min3A_383[15] : f32 from vector<16xf32>
    %eq3A_385 = vector.broadcast %reduce_min3A_384 : f32 to vector<16xf32>
    %eq3A_386 = arith.cmpf oeq, %scan3A_379#0, %eq3A_385 : vector<16xf32>
    %mul3A_387 = arith.constant 16 : i32
    %mul3A_388 = vector.broadcast %mul3A_387 : i32 to vector<16xi32>
    %mul3A_389 = arith.muli %scan3A_379#1, %mul3A_388 : vector<16xi32>
    %add3A_390 = arith.addi %mul3A_389, %iota3A : vector<16xi32>
    %jit3A_391 = arith.constant 8192 : i32
    %broadcast_in_dim3A_392 = vector.broadcast %jit3A_391 : i32 to vector<16xi32>
    %select_n3A_393 = arith.select %eq3A_386, %add3A_390, %broadcast_in_dim3A_392 : vector<16xi1>, vector<16xi32>
    %reduce_min3A_394 = arith.constant true
    %reduce_min3A_395 = vector.broadcast %reduce_min3A_394 : i1 to vector<16xi1>
    %reduce_min3A_396 = arith.constant -2147483648 : i32
    %reduce_min3A_397 = vector.broadcast %reduce_min3A_396 : i32 to vector<16xi32>
    %reduce_min3A_398 = arith.xori %select_n3A_393, %reduce_min3A_397 : vector<16xi32>
    %reduce_min3A_399 = tpu.scan <min>, %reduce_min3A_398 masked %reduce_min3A_395 : vector<16xi32>, vector<16xi1> -> vector<16xi32>
    %reduce_min3A_400 = arith.xori %reduce_min3A_399, %reduce_min3A_397 : vector<16xi32>
    %reduce_min3A_401 = vector.extract %reduce_min3A_400[15] : i32 from vector<16xi32>
    %eq3A_402 = arith.constant 5 : i32
    %eq3A_403 = vector.broadcast %eq3A_402 : i32 to vector<16xi32>
    %eq3A_404 = arith.cmpi eq, %iota3A, %eq3A_403 : vector<16xi32>
    %broadcast_in_dim3A_405 = vector.broadcast %reduce_min3A_401 : i32 to vector<16xi32>
    %select_n3A_406 = arith.select %eq3A_404, %broadcast_in_dim3A_405, %select_n3A_342 : vector<16xi1>, vector<16xi32>
    %dma_start3A_407 = arith.constant 7 : i32
    %dma_start3A_408 = arith.constant 1 : i32
    %dma_start3A_409 = arith.constant 0 : i32
    %dma_start3A_410 = tpu.memref_slice %arg5[%dma_start3A_408, %dma_start3A_409] : memref<2x8192xf32, #tpu.memory_space<vmem>> -> memref<1x8192xf32, #tpu.memory_space<vmem>>
    %dma_start3A_411 = tpu.memref_squeeze %dma_start3A_410 : memref<1x8192xf32, #tpu.memory_space<vmem>> -> memref<8192xf32, #tpu.memory_space<vmem>>
    %dma_start3A_412 = arith.constant 0 : i32
    %dma_start3A_413 = tpu.memref_slice %arg4[%arg1, %dma_start3A_407, %dma_start3A_412] : memref<16x8x8192xf32, #tpu.memory_space<vmem_shared>> -> memref<1x1x8192xf32, #tpu.memory_space<vmem_shared>>
    %dma_start3A_414 = tpu.memref_squeeze %dma_start3A_413 : memref<1x1x8192xf32, #tpu.memory_space<vmem_shared>> -> memref<8192xf32, #tpu.memory_space<vmem_shared>>
    %dma_start3A_415 = arith.constant 0 : i32
    %dma_start3A_416 = tpu.memref_slice %arg5[%dma_start3A_408, %dma_start3A_415] : memref<2x8192xf32, #tpu.memory_space<vmem>> -> memref<1x8192xf32, #tpu.memory_space<vmem>>
    %dma_start3A_417 = tpu.memref_squeeze %dma_start3A_416 : memref<1x8192xf32, #tpu.memory_space<vmem>> -> memref<8192xf32, #tpu.memory_space<vmem>>
    %dma_start3A_418 = arith.constant 0 : i32
    %dma_start3A_419 = tpu.memref_slice %arg4[%arg1, %dma_start3A_407, %dma_start3A_418] : memref<16x8x8192xf32, #tpu.memory_space<vmem_shared>> -> memref<1x1x8192xf32, #tpu.memory_space<vmem_shared>>
    %dma_start3A_420 = tpu.memref_squeeze %dma_start3A_419 : memref<1x1x8192xf32, #tpu.memory_space<vmem_shared>> -> memref<8192xf32, #tpu.memory_space<vmem_shared>>
    tpu.enqueue_dma source(%dma_start3A_420 : memref<8192xf32, #tpu.memory_space<vmem_shared>>) target(%dma_start3A_417 : memref<8192xf32, #tpu.memory_space<vmem>>) target_semaphore(%arg9 : memref<!tpu.dma_semaphore, #tpu.memory_space<semaphore_mem>>)
    %dma_wait3A_421 = arith.constant 6 : i32
    %dma_wait3A_422 = arith.constant 0 : i32
    %dma_wait3A_423 = arith.constant 0 : i32
    %dma_wait3A_424 = tpu.memref_slice %arg5[%dma_wait3A_422, %dma_wait3A_423] : memref<2x8192xf32, #tpu.memory_space<vmem>> -> memref<1x8192xf32, #tpu.memory_space<vmem>>
    %dma_wait3A_425 = tpu.memref_squeeze %dma_wait3A_424 : memref<1x8192xf32, #tpu.memory_space<vmem>> -> memref<8192xf32, #tpu.memory_space<vmem>>
    %dma_wait3A_426 = arith.constant 0 : i32
    %dma_wait3A_427 = tpu.memref_slice %arg4[%arg1, %dma_wait3A_421, %dma_wait3A_426] : memref<16x8x8192xf32, #tpu.memory_space<vmem_shared>> -> memref<1x1x8192xf32, #tpu.memory_space<vmem_shared>>
    %dma_wait3A_428 = tpu.memref_squeeze %dma_wait3A_427 : memref<1x1x8192xf32, #tpu.memory_space<vmem_shared>> -> memref<8192xf32, #tpu.memory_space<vmem_shared>>
    %dma_wait3A_429 = arith.constant 0 : i32
    %dma_wait3A_430 = tpu.memref_slice %arg5[%dma_wait3A_422, %dma_wait3A_429] : memref<2x8192xf32, #tpu.memory_space<vmem>> -> memref<1x8192xf32, #tpu.memory_space<vmem>>
    %dma_wait3A_431 = tpu.memref_squeeze %dma_wait3A_430 : memref<1x8192xf32, #tpu.memory_space<vmem>> -> memref<8192xf32, #tpu.memory_space<vmem>>
    %dma_wait3A_432 = arith.constant 0 : i32
    %dma_wait3A_433 = tpu.memref_slice %arg4[%arg1, %dma_wait3A_421, %dma_wait3A_432] : memref<16x8x8192xf32, #tpu.memory_space<vmem_shared>> -> memref<1x1x8192xf32, #tpu.memory_space<vmem_shared>>
    %dma_wait3A_434 = tpu.memref_squeeze %dma_wait3A_433 : memref<1x1x8192xf32, #tpu.memory_space<vmem_shared>> -> memref<8192xf32, #tpu.memory_space<vmem_shared>>
    tpu.wait_dma2 semaphore(%arg8 : memref<!tpu.dma_semaphore, #tpu.memory_space<semaphore_mem>>) src(%dma_wait3A_434 : memref<8192xf32, #tpu.memory_space<vmem_shared>>) dst(%dma_wait3A_431 : memref<8192xf32, #tpu.memory_space<vmem>>)
    %broadcast_in_dim3A_435 = arith.constant 0x7F800000 : f32
    %broadcast_in_dim3A_436 = vector.broadcast %broadcast_in_dim3A_435 : f32 to vector<16xf32>
    %broadcast_in_dim3A_437 = arith.constant 0 : i32
    %broadcast_in_dim3A_438 = vector.broadcast %broadcast_in_dim3A_437 : i32 to vector<16xi32>
    %scan3A_439 = arith.constant 0 : i32
    %scan3A_440 = arith.constant 128 : i32
    %scan3A_441 = arith.addi %scan3A_439, %scan3A_440 : i32
    %scan3A_442 = arith.constant 1 : i32
    %scan3A_443:2 = scf.for %scan3A_522 = %scan3A_439 to %scan3A_441 step %scan3A_442 iter_args(%scan3A_523 = %broadcast_in_dim3A_436, %scan3A_524 = %broadcast_in_dim3A_438) -> (vector<16xf32>, vector<16xi32>)  : i32 {
      %mul3A_525 = arith.constant 4 : i32
      %mul3A_526 = arith.muli %scan3A_522, %mul3A_525 : i32
      %add3A_527 = arith.constant 0 : i32
      %add3A_528 = arith.addi %mul3A_526, %add3A_527 : i32
      %mul3A_529 = arith.constant 16 : i32
      %mul3A_530 = arith.muli %add3A_528, %mul3A_529 : i32
      %get3A = arith.constant 0 : i32
      %get3A_531 = arith.index_cast %get3A : i32 to index
      %get3A_532 = arith.index_cast %mul3A_530 : i32 to index
      %get3A_533 = tpu.vector_load %arg5[%get3A_531, %get3A_532] {strides = array<i32>} : memref<2x8192xf32, #tpu.memory_space<vmem>>, vector<16xf32>,
      %lt3A = arith.cmpf olt, %get3A_533, %scan3A_523 : vector<16xf32>
      %select_n3A_534 = arith.select %lt3A, %get3A_533, %scan3A_523 : vector<16xi1>, vector<16xf32>
      %broadcast_in_dim3A_535 = vector.broadcast %add3A_528 : i32 to vector<16xi32>
      %select_n3A_536 = arith.select %lt3A, %broadcast_in_dim3A_535, %scan3A_524 : vector<16xi1>, vector<16xi32>
      %mul3A_537 = arith.constant 4 : i32
      %mul3A_538 = arith.muli %scan3A_522, %mul3A_537 : i32
      %add3A_539 = arith.constant 1 : i32
      %add3A_540 = arith.addi %mul3A_538, %add3A_539 : i32
      %mul3A_541 = arith.constant 16 : i32
      %mul3A_542 = arith.muli %add3A_540, %mul3A_541 : i32
      %get3A_543 = arith.constant 0 : i32
      %get3A_544 = arith.index_cast %get3A_543 : i32 to index
      %get3A_545 = arith.index_cast %mul3A_542 : i32 to index
      %get3A_546 = tpu.vector_load %arg5[%get3A_544, %get3A_545] {strides = array<i32>} : memref<2x8192xf32, #tpu.memory_space<vmem>>, vector<16xf32>,
      %lt3A_547 = arith.cmpf olt, %get3A_546, %select_n3A_534 : vector<16xf32>
      %select_n3A_548 = arith.select %lt3A_547, %get3A_546, %select_n3A_534 : vector<16xi1>, vector<16xf32>
      %broadcast_in_dim3A_549 = vector.broadcast %add3A_540 : i32 to vector<16xi32>
      %select_n3A_550 = arith.select %lt3A_547, %broadcast_in_dim3A_549, %select_n3A_536 : vector<16xi1>, vector<16xi32>
      %mul3A_551 = arith.constant 4 : i32
      %mul3A_552 = arith.muli %scan3A_522, %mul3A_551 : i32
      %add3A_553 = arith.constant 2 : i32
      %add3A_554 = arith.addi %mul3A_552, %add3A_553 : i32
      %mul3A_555 = arith.constant 16 : i32
      %mul3A_556 = arith.muli %add3A_554, %mul3A_555 : i32
      %get3A_557 = arith.constant 0 : i32
      %get3A_558 = arith.index_cast %get3A_557 : i32 to index
      %get3A_559 = arith.index_cast %mul3A_556 : i32 to index
      %get3A_560 = tpu.vector_load %arg5[%get3A_558, %get3A_559] {strides = array<i32>} : memref<2x8192xf32, #tpu.memory_space<vmem>>, vector<16xf32>,
      %lt3A_561 = arith.cmpf olt, %get3A_560, %select_n3A_548 : vector<16xf32>
      %select_n3A_562 = arith.select %lt3A_561, %get3A_560, %select_n3A_548 : vector<16xi1>, vector<16xf32>
      %broadcast_in_dim3A_563 = vector.broadcast %add3A_554 : i32 to vector<16xi32>
      %select_n3A_564 = arith.select %lt3A_561, %broadcast_in_dim3A_563, %select_n3A_550 : vector<16xi1>, vector<16xi32>
      %mul3A_565 = arith.constant 4 : i32
      %mul3A_566 = arith.muli %scan3A_522, %mul3A_565 : i32
      %add3A_567 = arith.constant 3 : i32
      %add3A_568 = arith.addi %mul3A_566, %add3A_567 : i32
      %mul3A_569 = arith.constant 16 : i32
      %mul3A_570 = arith.muli %add3A_568, %mul3A_569 : i32
      %get3A_571 = arith.constant 0 : i32
      %get3A_572 = arith.index_cast %get3A_571 : i32 to index
      %get3A_573 = arith.index_cast %mul3A_570 : i32 to index
      %get3A_574 = tpu.vector_load %arg5[%get3A_572, %get3A_573] {strides = array<i32>} : memref<2x8192xf32, #tpu.memory_space<vmem>>, vector<16xf32>,
      %lt3A_575 = arith.cmpf olt, %get3A_574, %select_n3A_562 : vector<16xf32>
      %select_n3A_576 = arith.select %lt3A_575, %get3A_574, %select_n3A_562 : vector<16xi1>, vector<16xf32>
      %broadcast_in_dim3A_577 = vector.broadcast %add3A_568 : i32 to vector<16xi32>
      %select_n3A_578 = arith.select %lt3A_575, %broadcast_in_dim3A_577, %select_n3A_564 : vector<16xi1>, vector<16xi32>
      scf.yield %select_n3A_576, %select_n3A_578 : vector<16xf32>, vector<16xi32>
    }
    %scan3A_444 = arith.constant 128 : i32
    %reduce_min3A_445 = arith.constant true
    %reduce_min3A_446 = vector.broadcast %reduce_min3A_445 : i1 to vector<16xi1>
    %reduce_min3A_447 = tpu.scan <min>, %scan3A_443#0 masked %reduce_min3A_446 : vector<16xf32>, vector<16xi1> -> vector<16xf32>
    %reduce_min3A_448 = vector.extract %reduce_min3A_447[15] : f32 from vector<16xf32>
    %eq3A_449 = vector.broadcast %reduce_min3A_448 : f32 to vector<16xf32>
    %eq3A_450 = arith.cmpf oeq, %scan3A_443#0, %eq3A_449 : vector<16xf32>
    %mul3A_451 = arith.constant 16 : i32
    %mul3A_452 = vector.broadcast %mul3A_451 : i32 to vector<16xi32>
    %mul3A_453 = arith.muli %scan3A_443#1, %mul3A_452 : vector<16xi32>
    %add3A_454 = arith.addi %mul3A_453, %iota3A : vector<16xi32>
    %jit3A_455 = arith.constant 8192 : i32
    %broadcast_in_dim3A_456 = vector.broadcast %jit3A_455 : i32 to vector<16xi32>
    %select_n3A_457 = arith.select %eq3A_450, %add3A_454, %broadcast_in_dim3A_456 : vector<16xi1>, vector<16xi32>
    %reduce_min3A_458 = arith.constant true
    %reduce_min3A_459 = vector.broadcast %reduce_min3A_458 : i1 to vector<16xi1>
    %reduce_min3A_460 = arith.constant -2147483648 : i32
    %reduce_min3A_461 = vector.broadcast %reduce_min3A_460 : i32 to vector<16xi32>
    %reduce_min3A_462 = arith.xori %select_n3A_457, %reduce_min3A_461 : vector<16xi32>
    %reduce_min3A_463 = tpu.scan <min>, %reduce_min3A_462 masked %reduce_min3A_459 : vector<16xi32>, vector<16xi1> -> vector<16xi32>
    %reduce_min3A_464 = arith.xori %reduce_min3A_463, %reduce_min3A_461 : vector<16xi32>
    %reduce_min3A_465 = vector.extract %reduce_min3A_464[15] : i32 from vector<16xi32>
    %eq3A_466 = arith.constant 6 : i32
    %eq3A_467 = vector.broadcast %eq3A_466 : i32 to vector<16xi32>
    %eq3A_468 = arith.cmpi eq, %iota3A, %eq3A_467 : vector<16xi32>
    %broadcast_in_dim3A_469 = vector.broadcast %reduce_min3A_465 : i32 to vector<16xi32>
    %select_n3A_470 = arith.select %eq3A_468, %broadcast_in_dim3A_469, %select_n3A_406 : vector<16xi1>, vector<16xi32>
    %dma_wait3A_471 = arith.constant 7 : i32
    %dma_wait3A_472 = arith.constant 1 : i32
    %dma_wait3A_473 = arith.constant 0 : i32
    %dma_wait3A_474 = tpu.memref_slice %arg5[%dma_wait3A_472, %dma_wait3A_473] : memref<2x8192xf32, #tpu.memory_space<vmem>> -> memref<1x8192xf32, #tpu.memory_space<vmem>>
    %dma_wait3A_475 = tpu.memref_squeeze %dma_wait3A_474 : memref<1x8192xf32, #tpu.memory_space<vmem>> -> memref<8192xf32, #tpu.memory_space<vmem>>
    %dma_wait3A_476 = arith.constant 0 : i32
    %dma_wait3A_477 = tpu.memref_slice %arg4[%arg1, %dma_wait3A_471, %dma_wait3A_476] : memref<16x8x8192xf32, #tpu.memory_space<vmem_shared>> -> memref<1x1x8192xf32, #tpu.memory_space<vmem_shared>>
    %dma_wait3A_478 = tpu.memref_squeeze %dma_wait3A_477 : memref<1x1x8192xf32, #tpu.memory_space<vmem_shared>> -> memref<8192xf32, #tpu.memory_space<vmem_shared>>
    %dma_wait3A_479 = arith.constant 0 : i32
    %dma_wait3A_480 = tpu.memref_slice %arg5[%dma_wait3A_472, %dma_wait3A_479] : memref<2x8192xf32, #tpu.memory_space<vmem>> -> memref<1x8192xf32, #tpu.memory_space<vmem>>
    %dma_wait3A_481 = tpu.memref_squeeze %dma_wait3A_480 : memref<1x8192xf32, #tpu.memory_space<vmem>> -> memref<8192xf32, #tpu.memory_space<vmem>>
    %dma_wait3A_482 = arith.constant 0 : i32
    %dma_wait3A_483 = tpu.memref_slice %arg4[%arg1, %dma_wait3A_471, %dma_wait3A_482] : memref<16x8x8192xf32, #tpu.memory_space<vmem_shared>> -> memref<1x1x8192xf32, #tpu.memory_space<vmem_shared>>
    %dma_wait3A_484 = tpu.memref_squeeze %dma_wait3A_483 : memref<1x1x8192xf32, #tpu.memory_space<vmem_shared>> -> memref<8192xf32, #tpu.memory_space<vmem_shared>>
    tpu.wait_dma2 semaphore(%arg9 : memref<!tpu.dma_semaphore, #tpu.memory_space<semaphore_mem>>) src(%dma_wait3A_484 : memref<8192xf32, #tpu.memory_space<vmem_shared>>) dst(%dma_wait3A_481 : memref<8192xf32, #tpu.memory_space<vmem>>)
    %broadcast_in_dim3A_485 = arith.constant 0x7F800000 : f32
    %broadcast_in_dim3A_486 = vector.broadcast %broadcast_in_dim3A_485 : f32 to vector<16xf32>
    %broadcast_in_dim3A_487 = arith.constant 0 : i32
    %broadcast_in_dim3A_488 = vector.broadcast %broadcast_in_dim3A_487 : i32 to vector<16xi32>
    %scan3A_489 = arith.constant 0 : i32
    %scan3A_490 = arith.constant 128 : i32
    %scan3A_491 = arith.addi %scan3A_489, %scan3A_490 : i32
    %scan3A_492 = arith.constant 1 : i32
    %scan3A_493:2 = scf.for %scan3A_522 = %scan3A_489 to %scan3A_491 step %scan3A_492 iter_args(%scan3A_523 = %broadcast_in_dim3A_486, %scan3A_524 = %broadcast_in_dim3A_488) -> (vector<16xf32>, vector<16xi32>)  : i32 {
      %mul3A_525 = arith.constant 4 : i32
      %mul3A_526 = arith.muli %scan3A_522, %mul3A_525 : i32
      %add3A_527 = arith.constant 0 : i32
      %add3A_528 = arith.addi %mul3A_526, %add3A_527 : i32
      %mul3A_529 = arith.constant 16 : i32
      %mul3A_530 = arith.muli %add3A_528, %mul3A_529 : i32
      %get3A = arith.constant 1 : i32
      %get3A_531 = arith.index_cast %get3A : i32 to index
      %get3A_532 = arith.index_cast %mul3A_530 : i32 to index
      %get3A_533 = tpu.vector_load %arg5[%get3A_531, %get3A_532] {strides = array<i32>} : memref<2x8192xf32, #tpu.memory_space<vmem>>, vector<16xf32>,
      %lt3A = arith.cmpf olt, %get3A_533, %scan3A_523 : vector<16xf32>
      %select_n3A_534 = arith.select %lt3A, %get3A_533, %scan3A_523 : vector<16xi1>, vector<16xf32>
      %broadcast_in_dim3A_535 = vector.broadcast %add3A_528 : i32 to vector<16xi32>
      %select_n3A_536 = arith.select %lt3A, %broadcast_in_dim3A_535, %scan3A_524 : vector<16xi1>, vector<16xi32>
      %mul3A_537 = arith.constant 4 : i32
      %mul3A_538 = arith.muli %scan3A_522, %mul3A_537 : i32
      %add3A_539 = arith.constant 1 : i32
      %add3A_540 = arith.addi %mul3A_538, %add3A_539 : i32
      %mul3A_541 = arith.constant 16 : i32
      %mul3A_542 = arith.muli %add3A_540, %mul3A_541 : i32
      %get3A_543 = arith.constant 1 : i32
      %get3A_544 = arith.index_cast %get3A_543 : i32 to index
      %get3A_545 = arith.index_cast %mul3A_542 : i32 to index
      %get3A_546 = tpu.vector_load %arg5[%get3A_544, %get3A_545] {strides = array<i32>} : memref<2x8192xf32, #tpu.memory_space<vmem>>, vector<16xf32>,
      %lt3A_547 = arith.cmpf olt, %get3A_546, %select_n3A_534 : vector<16xf32>
      %select_n3A_548 = arith.select %lt3A_547, %get3A_546, %select_n3A_534 : vector<16xi1>, vector<16xf32>
      %broadcast_in_dim3A_549 = vector.broadcast %add3A_540 : i32 to vector<16xi32>
      %select_n3A_550 = arith.select %lt3A_547, %broadcast_in_dim3A_549, %select_n3A_536 : vector<16xi1>, vector<16xi32>
      %mul3A_551 = arith.constant 4 : i32
      %mul3A_552 = arith.muli %scan3A_522, %mul3A_551 : i32
      %add3A_553 = arith.constant 2 : i32
      %add3A_554 = arith.addi %mul3A_552, %add3A_553 : i32
      %mul3A_555 = arith.constant 16 : i32
      %mul3A_556 = arith.muli %add3A_554, %mul3A_555 : i32
      %get3A_557 = arith.constant 1 : i32
      %get3A_558 = arith.index_cast %get3A_557 : i32 to index
      %get3A_559 = arith.index_cast %mul3A_556 : i32 to index
      %get3A_560 = tpu.vector_load %arg5[%get3A_558, %get3A_559] {strides = array<i32>} : memref<2x8192xf32, #tpu.memory_space<vmem>>, vector<16xf32>,
      %lt3A_561 = arith.cmpf olt, %get3A_560, %select_n3A_548 : vector<16xf32>
      %select_n3A_562 = arith.select %lt3A_561, %get3A_560, %select_n3A_548 : vector<16xi1>, vector<16xf32>
      %broadcast_in_dim3A_563 = vector.broadcast %add3A_554 : i32 to vector<16xi32>
      %select_n3A_564 = arith.select %lt3A_561, %broadcast_in_dim3A_563, %select_n3A_550 : vector<16xi1>, vector<16xi32>
      %mul3A_565 = arith.constant 4 : i32
      %mul3A_566 = arith.muli %scan3A_522, %mul3A_565 : i32
      %add3A_567 = arith.constant 3 : i32
      %add3A_568 = arith.addi %mul3A_566, %add3A_567 : i32
      %mul3A_569 = arith.constant 16 : i32
      %mul3A_570 = arith.muli %add3A_568, %mul3A_569 : i32
      %get3A_571 = arith.constant 1 : i32
      %get3A_572 = arith.index_cast %get3A_571 : i32 to index
      %get3A_573 = arith.index_cast %mul3A_570 : i32 to index
      %get3A_574 = tpu.vector_load %arg5[%get3A_572, %get3A_573] {strides = array<i32>} : memref<2x8192xf32, #tpu.memory_space<vmem>>, vector<16xf32>,
      %lt3A_575 = arith.cmpf olt, %get3A_574, %select_n3A_562 : vector<16xf32>
      %select_n3A_576 = arith.select %lt3A_575, %get3A_574, %select_n3A_562 : vector<16xi1>, vector<16xf32>
      %broadcast_in_dim3A_577 = vector.broadcast %add3A_568 : i32 to vector<16xi32>
      %select_n3A_578 = arith.select %lt3A_575, %broadcast_in_dim3A_577, %select_n3A_564 : vector<16xi1>, vector<16xi32>
      scf.yield %select_n3A_576, %select_n3A_578 : vector<16xf32>, vector<16xi32>
    }
    %scan3A_494 = arith.constant 128 : i32
    %reduce_min3A_495 = arith.constant true
    %reduce_min3A_496 = vector.broadcast %reduce_min3A_495 : i1 to vector<16xi1>
    %reduce_min3A_497 = tpu.scan <min>, %scan3A_493#0 masked %reduce_min3A_496 : vector<16xf32>, vector<16xi1> -> vector<16xf32>
    %reduce_min3A_498 = vector.extract %reduce_min3A_497[15] : f32 from vector<16xf32>
    %eq3A_499 = vector.broadcast %reduce_min3A_498 : f32 to vector<16xf32>
    %eq3A_500 = arith.cmpf oeq, %scan3A_493#0, %eq3A_499 : vector<16xf32>
    %mul3A_501 = arith.constant 16 : i32
    %mul3A_502 = vector.broadcast %mul3A_501 : i32 to vector<16xi32>
    %mul3A_503 = arith.muli %scan3A_493#1, %mul3A_502 : vector<16xi32>
    %add3A_504 = arith.addi %mul3A_503, %iota3A : vector<16xi32>
    %jit3A_505 = arith.constant 8192 : i32
    %broadcast_in_dim3A_506 = vector.broadcast %jit3A_505 : i32 to vector<16xi32>
    %select_n3A_507 = arith.select %eq3A_500, %add3A_504, %broadcast_in_dim3A_506 : vector<16xi1>, vector<16xi32>
    %reduce_min3A_508 = arith.constant true
    %reduce_min3A_509 = vector.broadcast %reduce_min3A_508 : i1 to vector<16xi1>
    %reduce_min3A_510 = arith.constant -2147483648 : i32
    %reduce_min3A_511 = vector.broadcast %reduce_min3A_510 : i32 to vector<16xi32>
    %reduce_min3A_512 = arith.xori %select_n3A_507, %reduce_min3A_511 : vector<16xi32>
    %reduce_min3A_513 = tpu.scan <min>, %reduce_min3A_512 masked %reduce_min3A_509 : vector<16xi32>, vector<16xi1> -> vector<16xi32>
    %reduce_min3A_514 = arith.xori %reduce_min3A_513, %reduce_min3A_511 : vector<16xi32>
    %reduce_min3A_515 = vector.extract %reduce_min3A_514[15] : i32 from vector<16xi32>
    %eq3A_516 = arith.constant 7 : i32
    %eq3A_517 = vector.broadcast %eq3A_516 : i32 to vector<16xi32>
    %eq3A_518 = arith.cmpi eq, %iota3A, %eq3A_517 : vector<16xi32>
    %broadcast_in_dim3A_519 = vector.broadcast %reduce_min3A_515 : i32 to vector<16xi32>
    %select_n3A_520 = arith.select %eq3A_518, %broadcast_in_dim3A_519, %select_n3A_470 : vector<16xi1>, vector<16xi32>
    %swap3A = arith.constant 0 : index
    %swap3A_521 = tpu.vector_load %arg6[%swap3A] {strides = array<i32>} : memref<16xi32, #tpu.memory_space<vmem>>, vector<16xi32>,
    tpu.vector_store %arg6[%swap3A], %select_n3A_520 {strides = array<i32>} : memref<16xi32, #tpu.memory_space<vmem>>, vector<16xi32>,
    "tpu.region"() ({
      %run_scoped3A = tpu.sem_alloc : memref<!tpu.dma_semaphore, #tpu.memory_space<semaphore_mem>>
      %dma_start3A_522 = arith.constant 0 : i32
      %dma_start3A_523 = tpu.memref_slice %arg3[%add3A, %dma_start3A_522] : memref<32x16xi32, #tpu.memory_space<hbm>> -> memref<1x16xi32, #tpu.memory_space<hbm>>
      %dma_start3A_524 = tpu.memref_squeeze %dma_start3A_523 : memref<1x16xi32, #tpu.memory_space<hbm>> -> memref<16xi32, #tpu.memory_space<hbm>>
      %dma_start3A_525 = arith.constant 0 : i32
      %dma_start3A_526 = tpu.memref_slice %arg3[%add3A, %dma_start3A_525] : memref<32x16xi32, #tpu.memory_space<hbm>> -> memref<1x16xi32, #tpu.memory_space<hbm>>
      %dma_start3A_527 = tpu.memref_squeeze %dma_start3A_526 : memref<1x16xi32, #tpu.memory_space<hbm>> -> memref<16xi32, #tpu.memory_space<hbm>>
      tpu.enqueue_dma source(%arg6 : memref<16xi32, #tpu.memory_space<vmem>>) target(%dma_start3A_527 : memref<16xi32, #tpu.memory_space<hbm>>) target_semaphore(%run_scoped3A : memref<!tpu.dma_semaphore, #tpu.memory_space<semaphore_mem>>)
      %dma_wait3A_528 = arith.constant 0 : i32
      %dma_wait3A_529 = tpu.memref_slice %arg3[%add3A, %dma_wait3A_528] : memref<32x16xi32, #tpu.memory_space<hbm>> -> memref<1x16xi32, #tpu.memory_space<hbm>>
      %dma_wait3A_530 = tpu.memref_squeeze %dma_wait3A_529 : memref<1x16xi32, #tpu.memory_space<hbm>> -> memref<16xi32, #tpu.memory_space<hbm>>
      %dma_wait3A_531 = arith.constant 0 : i32
      %dma_wait3A_532 = tpu.memref_slice %arg3[%add3A, %dma_wait3A_531] : memref<32x16xi32, #tpu.memory_space<hbm>> -> memref<1x16xi32, #tpu.memory_space<hbm>>
      %dma_wait3A_533 = tpu.memref_squeeze %dma_wait3A_532 : memref<1x16xi32, #tpu.memory_space<hbm>> -> memref<16xi32, #tpu.memory_space<hbm>>
      tpu.wait_dma2 semaphore(%run_scoped3A : memref<!tpu.dma_semaphore, #tpu.memory_space<semaphore_mem>>) src(%arg6 : memref<16xi32, #tpu.memory_space<vmem>>) dst(%dma_wait3A_533 : memref<16xi32, #tpu.memory_space<hbm>>)
      tpu.yield
    }) : () -> ()
    return
  }
}

</mosaic_0001>

<sc_bundles>
// kernel: kernel.3.cloned.1.call-start
scs
__scs_entry_jumppad:
0x0: {  	(pc) =	sbr.rel $0x88, $3  }
0x1: {  	(tag) =	ssettag $0x0;
	lr =	simm.s32 $0x1  }
0x2: {  	[smem:$0x3FA0] =	sst lr;
	_ =	strace $0xD0000000  }
0x3: {  	_ = 	snop  }
0x4: {  	_ = 	snop  }
0x5: {  	_ = 	snop  }
0x6: {  	_ = 	snop  }
0x7: {  	_ = 	snop  }
__scs_overlays_trampoline_lowered:
0x8: {  	[smem:$0x3FAF] =	sst s0  }
0x9: {  	[smem:$0x3FB0] =	sst s1  }
0xa: {  	[smem:$0x3FB1] =	sst s2  }
0xb: {  	[smem:$0x3FB2] =	sst s3  }
0xc: {  	[smem:$0x3FB3] =	sst s4  }
0xd: {  	[smem:$0x3FB4] =	sst s5  }
0xe: {  	[smem:$0x3FB5] =	sst s6  }
0xf: {  	[smem:$0x3FB6] =	sst s7  }
0x10: {  	[smem:$0x3FB7] =	sst s8  }
0x11: {  	[smem:$0x3FB8] =	sst s9;
	s0 =	simm.s32 @!p0 $0x0  }
0x12: {  	s1 =	sld [smem:$0x3F9E];
	s0 =	simm.s32 @p0 $0x1  }
0x13: {  	[smem:$0x3FB9] =	sst s0;
	s0 =	simm.s32 @!p1 $0x0  }
0x14: {  	s2 =	sld [smem:$0x3F9D];
	s0 =	simm.s32 @p1 $0x1  }
0x15: {  	[smem:$0x3FBA] =	sst s0;
	s0 =	simm.s32 @!p2 $0x0  }
0x16: {  	s3 =	sld [smem:$0x3FDB];
	s0 =	simm.s32 @p2 $0x1  }
0x17: {  	s4 =	simm.s32 $0x1BF5;
	[smem:$0x3FBC] =	sst s0  }
0x18: {  	s0 =	sld [smem:$0x3F9F];
	_ =	swait.ge [sflag:s4], $0x0  }
0x19: {  	s7 =	sld [smem:$0x3FA0]  }
0x1a: {  	s8 =	sadd.s32 $0xFFFFE003, lr  }
0x1b: {  	s9 =	sadd.s32 $0xFFFFFEF7, lr;
	s5 =	simm.s32 $0xFFFFFFFF;
	p2 =	slt.u32 s8, $0xFFFFF086  }
0x1c: {  	p1 =	slt.u32 s9, $0xF7A;
	s5 =	simm.s32 @!p2 $0x0  }
0x1d: {  	s5 =	simm.s32 @p1 $0x1;
	p0 =	seq.s32 s7, s2  }
0x1e: {  	s7 =	smul.u32 @!p0 $0xF7A, s2;
	p2 =	seq.s32 @!p0 s5, $0x0  }
0x1f: {  	s9 =	smul.u32 $0xF7A, s1;
	s8 =	simm.s32 @!p0 $0x1BF5;
	p2 =	por !p2, p0  }
0x20: {  	[sflag:s8] =	ssyncset.s32 @!p0 $0xFFFFF086;
	s6 =	sadd.s32 @!p0 s3, s7;
	s7 =	simm.s32 @!p0 $0x108  }
0x21: {  	s3 =	sadd.s32 s3, s9;
	s6 =	sadd.s32 @!p0 $0x88, s6;
	s7 =	simm.s32 @p2 $0x1082  }
0x22: {  	[simem:s7], [sflag:s8] =	dma.local @!p0 [hbm:s6], $0xF7A  }
0x23: {  	s9 =	sor.u32 $0xD0000000, s2;
	s6 =	simm.s32 $0x108;
	_ =	swait.ge @!p0 [sflag:s8], $0x0  }
0x24: {  	s3 =	sadd.s32 $0x88, s3;
	s6 =	simm.s32 @!p1 $0x1082;
	[sflag:s4] =	ssyncset.s32 $0xFFFFF086  }
0x25: {  	[simem:s6], [sflag:s4] =	dma.local [hbm:s3], $0xF7A  }
0x26: {  	[smem:$0x3FA0] =	sst s1;
	(tag) =	ssettag s2;
	_ =	strace s9  }
0x27: {  	s1 =	sld [smem:$0x3FB0]  }
0x28: {  	s2 =	sld [smem:$0x3FB1]  }
0x29: {  	s4 =	sld [smem:$0x3FB3]  }
0x2a: {  	p0 =	seq.s32 s5, $0x0;
	s5 =	sld [smem:$0x3FB4]  }
0x2b: {  	s6 =	sld [smem:$0x3FB5]  }
0x2c: {  	s7 =	sld [smem:$0x3FB6]  }
0x2d: {  	s3 =	simm.s32 $0x108;
	s8 =	sld [smem:$0x3FB7]  }
0x2e: {  	s3 =	simm.s32 @!p0 $0x1082;
	s9 =	sld [smem:$0x3FB8]  }
0x2f: {  	lr =	sadd.s32 s0, s3;
	s0 =	sld [smem:$0x3FAF]  }
0x30: {  	s3 =	sld [smem:$0x3FB2]  }
0x31: {  	[smem:$0x3FBB] =	sst s10  }
0x32: {  	s10 =	sld [smem:$0x3FB9];
	_ =	sdelay $0x3  }
0x33: {  	p0 =	seq.s32 s10, $0x1;
	s10 =	sld [smem:$0x3FBB];
	_ =	sdelay $0x3  }
0x34: {  	[smem:$0x3FBB] =	sst s10  }
0x35: {  	s10 =	sld [smem:$0x3FBA];
	_ =	sdelay $0x3  }
0x36: {  	p1 =	seq.s32 s10, $0x1;
	s10 =	sld [smem:$0x3FBB];
	_ =	sdelay $0x3  }
0x37: {  	[smem:$0x3FBB] =	sst s10  }
0x38: {  	s10 =	sld [smem:$0x3FBC]  }
0x39: {  	_ = 	snop;
	(pc) =	sbr.ind lr, $3  }
0x3a: {  	_ = 	snop  }
0x3b: {  	_ = 	snop  }
0x3c: {  	p2 =	seq.s32 s10, $0x1;
	s10 =	sld [smem:$0x3FBB]  }
0x3d: {  	_ =	shalt  }
0x3e: {  	_ =	shalt  }
0x3f: {  	_ =	shalt  }
0x40: {  	_ =	shalt  }
0x41: {  	_ =	shalt  }
0x42: {  	_ =	shalt  }
0x43: {  	_ =	shalt  }
0x44: {  	_ =	shalt  }
0x45: {  	_ =	shalt  }
0x46: {  	_ =	shalt  }
0x47: {  	_ =	shalt  }
0x48: {  	_ =	shalt  }
0x49: {  	_ =	shalt  }
0x4a: {  	_ =	shalt  }
0x4b: {  	_ =	shalt  }
0x4c: {  	_ =	shalt  }
0x4d: {  	_ =	shalt  }
0x4e: {  	_ =	shalt  }
0x4f: {  	_ =	shalt  }
0x50: {  	_ =	shalt  }
0x51: {  	_ =	shalt  }
0x52: {  	_ =	shalt  }
0x53: {  	_ =	shalt  }
0x54: {  	_ =	shalt  }
0x55: {  	_ =	shalt  }
0x56: {  	_ =	shalt  }
0x57: {  	_ =	shalt  }
0x58: {  	_ =	shalt  }
0x59: {  	_ =	shalt  }
0x5a: {  	_ =	shalt  }
0x5b: {  	_ =	shalt  }
0x5c: {  	_ =	shalt  }
0x5d: {  	_ =	shalt  }
0x5e: {  	_ =	shalt  }
0x5f: {  	_ =	shalt  }
0x60: {  	_ =	shalt  }
0x61: {  	_ =	shalt  }
0x62: {  	_ =	shalt  }
0x63: {  	_ =	shalt  }
0x64: {  	_ =	shalt  }
0x65: {  	_ =	shalt  }
0x66: {  	_ =	shalt  }
0x67: {  	_ =	shalt  }
0x68: {  	_ =	shalt  }
0x69: {  	_ =	shalt  }
0x6a: {  	_ =	shalt  }
0x6b: {  	_ =	shalt  }
0x6c: {  	_ =	shalt  }
0x6d: {  	_ =	shalt  }
0x6e: {  	_ =	shalt  }
0x6f: {  	_ =	shalt  }
0x70: {  	_ =	shalt  }
0x71: {  	_ =	shalt  }
0x72: {  	_ =	shalt  }
0x73: {  	_ =	shalt  }
0x74: {  	_ =	shalt  }
0x75: {  	_ =	shalt  }
0x76: {  	_ =	shalt  }
0x77: {  	_ =	shalt  }
0x78: {  	_ =	shalt  }
0x79: {  	_ =	shalt  }
0x7a: {  	_ =	shalt  }
0x7b: {  	_ =	shalt  }
0x7c: {  	_ =	shalt  }
0x7d: {  	_ =	shalt  }
0x7e: {  	_ =	shalt  }
0x7f: {  	_ =	shalt  }
0x80: {  	_ =	shalt  }
0x81: {  	_ =	shalt  }
0x82: {  	_ =	shalt  }
0x83: {  	_ =	shalt  }
0x84: {  	_ =	shalt  }
0x85: {  	_ =	shalt  }
0x86: {  	_ =	shalt  }
0x87: {  	_ =	shalt  }
.Lfunc_end0:
.L_simem_size_0:
called_computation_lowered:
.L_overlay_start_0:
0x88: {  	s2 =	sld [smem:$0x3FD9]  }
0x89: {  	s3 =	sld [smem:$0x3FFE];
	_ =	sdelay $0x1  }
0x8a: {  	s1 =	srdreg.scid  }
0x8b: {  	s0 =	sand.u32 $0x1, s1  }
0x8c: {  	s17 =	sshll.u32 s0, $0xA;
	s2 =	sadd.s32 s3, s2  }
0x8d: {  	s2 =	sadd.s32 s2, s17  }
0x8e: {  	[smem:$0x3FC7] =	sst s2  }
0x8f: {  	_ = 	snop  }
0x90: {  	s2 =	sld [smem:$0x3FC9];
	(tm) =	ssettm $0x1  }
0x91: {  	s18 =	sld [smem:$0x3FFB];
	_ =	sdelay $0x3  }
0x92: {  	_ =	strace s18  }
0x93: {  	s3 =	sld [smem:$0x3FFC];
	_ =	sdelay $0x3  }
0x94: {  	_ =	strace s3  }
0x95: {  	s3 =	sld [smem:$0x3FFD];
	_ =	sdelay $0x3  }
0x96: {  	_ =	strace s3  }
0x97: {  	_ =	strace $0x8FFFFFFF  }
0x98: {  	s19 =	sld [smem:$0x3FDB];
	_ =	sdelay $0x1  }
0x99: {  	s4 =	simm.s32 $_scs_section_size  }
0x9a: {  	s5 =	simm.s32 $_size__tile_overlayer_lowered;
	s6 =	simm.s32 $_tile_overlayer_lowered  }
0x9b: {  	s22 =	simm.s32 $0x1BFF;
	s21 =	sshll.u32 s6, $0x1;
	s3 =	sadd.s32 s4, s19  }
0x9c: {  	s7 =	simm.s32 $0x0;
	s20 =	sshll.u32 s5, $0x1;
	s5 =	sadd.s32 s21, s3  }
0x9d: {  	[timem:s7], [sflag:s22] =	dma.local [hbm:s5], s20  }
0x9e: {  	_ =	swait.ge [sflag:s22], s20  }
0x9f: {  	s4 =	ssub.s32 $0x0, s20;
	[sflag:s22] =	ssyncset.done $0x0  }
0xa0: {  	[sflag:s22] =	ssyncadd.s32 s4;
	_ =	sdelay $0x1  }
0xa1: {  	s23 =	simm.s32 $0x1B8B  }
0xa2: {  	_ =	swait.ge [sflag:s23], $0x1  }
0xa3: {  	[sflag:s23] =	ssyncset.done $0x0  }
0xa4: {  	s25 =	simm.s32 $0x1B8E;
	s24 =	sld [smem:$0x3FFE];
	[sflag:s23] =	ssyncadd.s32 $0xFFFFFFFF  }
0xa5: {  	s26 =	simm.s32 $execute0_lowered;
	[smem:$0x3FD2] =	sst s25  }
0xa6: {  	s5 =	sshll.u32 s26, $0x1;
	_ =	strace $0x80000046;
	[dreg:$0x1] =	wrdreg $0xFFFFFFFF  }
0xa7: {  	s28 =	simm.s32 $_size_execute0_lowered;
	s3 =	sadd.s32 s3, s5;
	[dreg:$0x0] =	wrdreg $0x0  }
0xa8: {  	s5 =	sshll.u32 s28, $0x1;
	[dreg:$0x2] =	wrdreg s3  }
0xa9: {  	[dreg:$0x3] =	wrdreg s5  }
0xaa: {  	[dreg:$0x4] =	wrdreg $0xC0  }
0xab: {  	_ =	task [dreg:s7], $0x5FFFF  }
0xac: {  	[dreg:$0x1] =	wrdreg $0xFFFFFFFF  }
0xad: {  	[dreg:$0x0] =	wrdreg $0x60  }
0xae: {  	[dreg:$0x2] =	wrdreg s2  }
0xaf: {  	[dreg:$0x3] =	wrdreg s24  }
0xb0: {  	[dreg:$0x4] =	wrdreg $0x0  }
0xb1: {  	[dreg:$0x5] =	wrdreg $0x9  }
0xb2: {  	_ =	task.clear_ibuf [dreg:s7], $0x6FFFF;
	_ =	strace $0x90000046  }
0xb3: {  	s29 =	simm.s32 $0x9;
	_ =	strace $0x80000048  }
0xb4: {  	_ =	swait.ge [sflag:s29], $0x1  }
0xb5: {  	[sflag:s29] =	ssyncadd.s32 $0xFFFFFFFF  }
0xb6: {  	_ =	strace $0x90000048  }
0xb7: {  	_ =	sfence  }
0xb8: {  	s30 =	sld [smem:$0x0];
	_ =	sdelay $0x2  }
0xb9: {  	s31 =	sshll.u32 s1, $0xD;
	s1 =	sshrl.u32 s1, $0x2  }
0xba: {  	s3 =	sand.u32 $0x4000, s31;
	s1 =	sadd.s32 s1, s30  }
0xbb: {  	s0 =	sor.u32 s3, s0;
	s1 =	sshll.u32 s1, $0x11  }
0xbc: {  	s0 =	sor.u32 s1, s0  }
0xbd: {  	s0 =	sadd.s32 $0x8F2B, s0  }
0xbe: {  	[sflag:s0] =	ssyncadd.remote.s32 $0x1  }
0xbf: {  	_ =	sfence.sel $0xFFFF  }
0xc0: {  	[dreg:$0x0] =	wrdreg $0xFFFFFFFF;
	(pc) =	sbr.abs _section_cstart, $3  }
0xc1: {  	[dreg:$0x1] =	wrdreg $0xFFFFFFFF  }
0xc2: {  	_ =	task.clear_ibuf [dreg:s7], $0x2FFFF;
	_ =	strace $0x9FFFFFFF  }
0xc3: {  	(tm) =	ssettm $0x7FFFFFFF  }
tec
execute0_lowered:
.L_overlay_start_1:
0x0: {  	(tag) =	ssettag $0x1  }
0x1: {  	s4 =	rddreg [dreg:$0x0]  }
0x2: {  	s3 =	rddreg [dreg:$0x1]  }
0x3: {  	s5 =	rddreg [dreg:$0x2]  }
0x4: {  	s2 =	srdreg.scid;
	s1 =	stileid.u32  }
0x5: {  	s0 =	rddreg [dreg:$0x3];
	s16 =	simm.s32 $0x1;
	s17 =	simm.s32 $0x2  }
0x6: {  	s18 =	simm.s32 $0x14000;
	s19 =	simm.s32 $0x4;
	s20 =	simm.s32 $0x0  }
0x7: {  	s6 =	sand.u32 $0x1, s2;
	s7 =	sshll.u32 s1, $0x1;
	s2 =	simm.s32 $0x0  }
0x8: {  	s29 =	sshll.u32 s1, $0x10;
	s31 =	sshll.u32 s1, $0x6;
	s7 =	sor.u32 s6, s7  }
0x9: {  	s6 =	ssub.s32 $0x2, s6;
	[smem:$0x7FF] =	sst s2;
	s8 =	sshll.u32 s7, $0x4  }
0xa: {  	s9 =	sshrl.u32 s6, $0x1;
	_ =	strace $0x80000047;
	s30 =	sshll.u32 s7, $0xD  }
0xb: {  	s13 =	sadd.s32 s8, s3;
	s14 =	ssub.s32 s6, s9;
	s3 =	sadd.s32 s29, s5  }
0xc: {  	v0 =	vlaneseq.u32;
	s4 =	sadd.s32 s4, s30;
	s5 =	sor.u32 $0x1C01, s31;
	s6 =	sadd.s32 $0x80, s3  }
0xd: {  	vm0 =	vcmask $0x300;
	vm1 =	vcmask $0x704;
	vm2 =	vcmask $0xB08;
	s7 =	sadd.s32 $0x100, s3;
	s8 =	sadd.s32 $0x180, s3;
	s9 =	sadd.s32 $0x200, s3  }
0xe: {  	vm3 =	vcmask $0xF0C;
	vm4 =	vcmask $0x1310;
	vm5 =	vcmask $0x1714;
	s10 =	sadd.s32 $0x280, s3;
	s11 =	sadd.s32 $0x300, s3;
	s12 =	sadd.s32 $0x380, s3  }
0xf: {  	vm6 =	vcmask $0x1B18;
	vm7 =	vcmask $0x1F1C;
	v0 =	vor.u32 $0x80000000, v0;
	s13 =	sadd.s32 $0x400, s13;
	s14 =	smax.u32 s14, $0x1;
	s15 =	sshrl.u32 s3, $0x3  }
.LBB2_1:
0x10: {  	[spmem:s15], [sflag:s5] =	dma.local [hbm:s4], $0x2000  }
0x11: {  	_ =	swait.ge [sflag:s16], $0x2000  }
0x12: {  	[sflag:s16] =	ssyncset.done $0x0  }
0x13: {  	s21 =	smov.u32 s3;
	s22 =	simm.s32 $0x0;
	[sflag:s16] =	ssyncadd.s32 $0xFFFFE000  }
.LBB2_2:
0x14: {  	p0 =	sne.s32 s22, $0xFC00  }
.Ltmp0:
0x15: {  	_ = 	snop;
	(pc) =	sbr.rel @p0 .LBB2_2-.Ltmp0, $4  }
0x16: {  	s23 =	sshra.s32 s22, $0x2  }
0x17: {  	s23 =	sadd.s32 $0x10000, s23  }
0x18: {  	[tilespmem:s23], [sflag:$0x2] =	stream.linear.gather [spmem:s21], $0x80, $0x38;
	[tilespmem:$0x14080] =	vst v63  }
0x19: {  	s22 =	sadd.s32 $0x400, s22;
	s21 =	sadd.s32 $0x400, s21  }
0x1a: {  	s21 =	simm.s32 $0x10080  }
0x1b: {  	[tilespmem:s21], [sflag:$0x3] =	stream.linear.gather [spmem:s6], $0x80, $0x38;
	[tilespmem:$0x14080] =	vst v63  }
0x1c: {  	s22 =	smov.u32 s6;
	s21 =	simm.s32 $0x400  }
.LBB2_4:
0x1d: {  	p0 =	sne.s32 s21, $0xFC00  }
.Ltmp1:
0x1e: {  	_ = 	snop;
	(pc) =	sbr.rel @p0 .LBB2_4-.Ltmp1, $4  }
0x1f: {  	_ = 	snop  }
0x20: {  	s23 =	sshra.s32 s21, $0x2;
	s21 =	sadd.s32 $0x400, s21  }
0x21: {  	s22 =	sadd.s32 $0x400, s22;
	s23 =	sadd.s32 $0x10080, s23  }
0x22: {  	[tilespmem:s23], [sflag:$0x3] =	stream.linear.gather [spmem:s22], $0x80, $0x38;
	[tilespmem:$0x14080] =	vst v63  }
0x23: {  	s21 =	simm.s32 $0x0  }
0x24: {  	_ =	swait.ge [sflag:s17], $0x2000;
	s22 =	sand.u32 $0x3F00, s21  }
0x25: {  	[sflag:s17] =	ssyncset.done $0x0;
	s21 =	sand.u32 $0x40, s21;
	s28 =	sor.u32 $0x10000, s22  }
0x26: {  	[sflag:s17] =	ssyncadd.s32 $0xFFFFE000;
	s21 =	sor.u32 s21, s28  }
0x27: {  	s23 =	simm.s32 $0x10;
	v1 =	vld [tilespmem:s21+$0x0]  }
0x28: {  	s24 =	simm.s32 $0x20;
	s23 =	sand.u32 $0x50, s23  }
0x29: {  	s26 =	simm.s32 $0x30;
	s25 =	simm.s32 $0x0;
	s23 =	sor.u32 s23, s28  }
0x2a: {  	s24 =	sand.u32 $0x60, s24;
	s29 =	sand.u32 $0x70, s26;
	s22 =	simm.s32 $0x40;
	v3 =	vld [tilespmem:s23+$0x0]  }
0x2b: {  	v5 =	vimm.f32 $+Inf;
	s24 =	sor.u32 s24, s28;
	s28 =	sor.u32 s29, s28;
	s23 =	simm.s32 $0x80  }
0x2c: {  	v4 =	vimm.s32 $0x0;
	s21 =	simm.s32 $0x3;
	v2 =	vld [tilespmem:s24+$0x0];
	s24 =	simm.s32 $0x80;
	s26 =	sand.u32 $0x3F00, s23;
	vm8 =	vlt.f32 v1, v5  }
.LBB2_6:
0x2d: {  	p0 =	sne.s32 s24, $0x1FC0  }
0x2e: {  	s29 =	sand.u32 $0x40, s22;
	s30 =	sor.u32 $0x10000, s26;
	v5 =	vsel vm8, v1, v5;
	v4 =	vsel vm8, s25, v4;
	v6 =	vld [tilespmem:s28+$0x0];
	s26 =	sadd.s32 $0x10, s22  }
0x2f: {  	s28 =	sadd.s32 $0xFFFFFFFE, s21;
	s25 =	sor.u32 s29, s30;
	vm8 =	vlt.f32 v3, v5;
	s29 =	sadd.s32 $0xFFFFFFFF, s21  }
0x30: {  	v1 =	vld [tilespmem:s25+$0x0];
	s25 =	sand.u32 $0x50, s26;
	v5 =	vsel vm8, v3, v5;
	v4 =	vsel vm8, s28, v4;
	s26 =	smov.u32 s21;
	s28 =	smov.u32 s22  }
.Ltmp2:
0x31: {  	s22 =	sor.u32 s25, s30;
	s25 =	sadd.s32 $0x20, s28;
	vm8 =	vlt.f32 v2, v5;
	(pc) =	sbr.rel @p0 .LBB2_6-.Ltmp2, $4  }
0x32: {  	v3 =	vld [tilespmem:s22+$0x0];
	s25 =	sand.u32 $0x60, s25;
	v5 =	vsel vm8, v2, v5;
	v4 =	vsel vm8, s29, v4;
	s22 =	smov.u32 s24  }
0x33: {  	s21 =	sadd.s32 $0x4, s21;
	s28 =	sadd.s32 $0x30, s28;
	s29 =	sor.u32 s25, s30;
	vm8 =	vlt.f32 v6, v5  }
0x34: {  	s23 =	sadd.s32 $0x80, s23;
	s28 =	sand.u32 $0x70, s28;
	s25 =	sadd.s32 $0xFFFFFFFD, s21;
	v2 =	vld [tilespmem:s29+$0x0];
	v5 =	vsel vm8, v6, v5;
	v4 =	vsel vm8, s26, v4  }
0x35: {  	s24 =	sadd.s32 $0x40, s24;
	s28 =	sor.u32 s28, s30;
	s26 =	sand.u32 $0x3F00, s23;
	vm8 =	vlt.f32 v1, v5  }
0x36: {  	s23 =	sand.u32 $0x40, s22;
	s24 =	sor.u32 $0x10000, s26;
	v1 =	vsel vm8, v1, v5;
	v62 =	vld [tilespmem:s28+$0x0]  }
0x37: {  	s31 =	sadd.s32 $0x10, s22;
	s23 =	sor.u32 s23, s24;
	vm9 =	vlt.f32 v3, v1  }
0x38: {  	s26 =	sand.u32 $0x50, s31;
	v6 =	vld [tilespmem:s23+$0x0];
	v1 =	vsel vm9, v3, v1  }
0x39: {  	s28 =	sadd.s32 $0x20, s22;
	s23 =	sor.u32 s26, s24;
	vm10 =	vlt.f32 v2, v1  }
0x3a: {  	s29 =	sand.u32 $0x60, s28;
	v3 =	vld [tilespmem:s23+$0x0];
	v1 =	vsel vm10, v2, v1  }
0x3b: {  	s30 =	sadd.s32 $0x30, s22;
	s23 =	sor.u32 s29, s24;
	vm11 =	vlt.f32 v62, v1  }
0x3c: {  	s22 =	sand.u32 $0x70, s30;
	v2 =	vld [tilespmem:s23+$0x0];
	v1 =	vsel vm11, v62, v1  }
0x3d: {  	v4 =	vsel vm8, s25, v4;
	s31 =	sadd.s32 $0xFFFFFFFE, s21;
	s22 =	sor.u32 s22, s24;
	vm8 =	vlt.f32 v6, v1  }
0x3e: {  	s25 =	sadd.s32 $0xFFFFFFFF, s21;
	v4 =	vsel vm9, s31, v4;
	v63 =	vld [tilespmem:s22+$0x0];
	v1 =	vsel vm8, v6, v1  }
0x3f: {  	s26 =	sadd.s32 $0x4, s21;
	v4 =	vsel vm10, s25, v4;
	vm15 =	vlt.f32 v3, v1  }
0x40: {  	s28 =	sadd.s32 $0xFFFFFFFD, s26;
	v4 =	vsel vm11, s21, v4;
	v1 =	vsel vm15, v3, v1  }
0x41: {  	s29 =	sadd.s32 $0xFFFFFFFE, s26;
	v3 =	vsel vm8, s28, v4;
	vm8 =	vlt.f32 v2, v1  }
0x42: {  	s31 =	simm.s32 $0x10000;
	s30 =	sadd.s32 $0xFFFFFFFF, s26;
	v3 =	vsel vm15, s29, v3;
	v1 =	vsel vm8, v2, v1  }
0x43: {  	[tilespmem:s31], [sflag:$0x2] =	stream.linear.gather [spmem:s7], $0x80, $0x38;
	v2 =	vsel vm8, s30, v3;
	vm8 =	vlt.f32 v63, v1;
	[tilespmem:$0x14080] =	vst v63  }
0x44: {  	s22 =	smov.u32 s7;
	s21 =	simm.s32 $0x400;
	v1 =	vsel vm8, v63, v1;
	v2 =	vsel vm8, s26, v2  }
.LBB2_8:
0x45: {  	p0 =	sne.s32 s21, $0xFC00  }
.Ltmp3:
0x46: {  	_ = 	snop;
	(pc) =	sbr.rel @p0 .LBB2_8-.Ltmp3, $4  }
0x47: {  	_ = 	snop  }
0x48: {  	s23 =	sshra.s32 s21, $0x2;
	s21 =	sadd.s32 $0x400, s21  }
0x49: {  	s22 =	sadd.s32 $0x400, s22;
	s23 =	sadd.s32 $0x10000, s23  }
0x4a: {  	[tilespmem:s23], [sflag:$0x2] =	stream.linear.gather [spmem:s22], $0x80, $0x38;
	[tilespmem:$0x14080] =	vst v63  }
0x4b: {  	p0 =	por $0x0, $0x0;
	s23 =	simm.s32 $0x1  }
0x4c: {  	s21 =	simm.s32 $0x3;
	s23 =	simm.s32 @!p0 $0x0  }
0x4d: {  	s22 =	simm.s32 $0x0;
	_ =	swait.ge [sflag:s21], $0x2000;
	s23 =	sshll.u32 s23, $0x6  }
0x4e: {  	s24 =	sand.u32 $0x7, s22;
	[sflag:s21] =	ssyncset.done $0x0;
	s23 =	sadd.s32 $0x0, s23  }
0x4f: {  	s24 =	sshll.u32 s24, $0x4;
	[sflag:s21] =	ssyncadd.s32 $0xFFFFE000;
	s23 =	sor.u32 $0x80, s23  }
0x50: {  	s31 =	sand.u32 $0x3, s22;
	s26 =	sadd.s32 $0x0, s24;
	v3 =	vld [tilespmem:s23+$0x10000]  }
0x51: {  	s28 =	simm.s32 $0x0;
	s24 =	sshll.u32 s31, $0x5;
	s25 =	sadd.s32 $0x10, s26  }
0x52: {  	p0 =	por !p0, !p0;
	s31 =	sadd.s32 $0x20, s24;
	s29 =	sor.u32 $0x80, s25  }
0x53: {  	s24 =	simm.s32 $0x80;
	s23 =	simm.s32 $0x20;
	s30 =	sor.u32 $0x80, s31;
	v5 =	vld [tilespmem:s29+$0x10000]  }
0x54: {  	v7 =	vimm.f32 $+Inf;
	s25 =	simm.s32 $0x4;
	s31 =	sadd.s32 $0x30, s26;
	s29 =	simm.s32 $0x1  }
0x55: {  	v6 =	vimm.s32 $0x0;
	s26 =	simm.s32 $0x80;
	v4 =	vld [tilespmem:s30+$0x10000];
	s30 =	sor.u32 $0x80, s31;
	s29 =	simm.s32 @!p0 $0x0;
	vm8 =	vlt.f32 v3, v7  }
.LBB2_10:
0x56: {  	p1 =	sne.s32 s26, $0x1FC0  }
0x57: {  	s31 =	sand.u32 $0x7, s25;
	s29 =	sshll.u32 s29, $0x6;
	v3 =	vsel vm8, v3, v7;
	v6 =	vsel vm8, s28, v6;
	v7 =	vld [tilespmem:s30+$0x10000];
	s30 =	sadd.s32 $0xFFFFFFFE, s21  }
0x58: {  	s22 =	sadd.s32 $0x2, s22;
	s28 =	sshll.u32 s31, $0x4;
	s29 =	sadd.s32 s29, s24;
	vm8 =	vlt.f32 v5, v3  }
0x59: {  	s23 =	sadd.s32 $0x80, s23;
	s31 =	sadd.s32 s28, s24;
	s28 =	sor.u32 $0x80, s29;
	v5 =	vsel vm8, v5, v3;
	v6 =	vsel vm8, s30, v6  }
0x5a: {  	s29 =	sand.u32 $0x3, s22;
	s30 =	sadd.s32 $0xFFFFFFFF, s21;
	v3 =	vld [tilespmem:s28+$0x10000];
	s28 =	sadd.s32 $0x10, s31;
	vm8 =	vlt.f32 v4, v5  }
.Ltmp4:
0x5b: {  	s29 =	sshll.u32 s29, $0x5;
	s28 =	sor.u32 $0x80, s28;
	v4 =	vsel vm8, v4, v5;
	v6 =	vsel vm8, s30, v6;
	(pc) =	sbr.rel @p1 .LBB2_10-.Ltmp4, $4  }
0x5c: {  	s25 =	sadd.s32 $0x4, s25;
	s24 =	sadd.s32 $0x80, s24;
	s29 =	sadd.s32 s29, s23;
	v5 =	vld [tilespmem:s28+$0x10000];
	vm8 =	vlt.f32 v7, v4  }
0x5d: {  	p0 =	por !p0, !p0;
	s29 =	sor.u32 $0x80, s29;
	v7 =	vsel vm8, v7, v4;
	v6 =	vsel vm8, s21, v6;
	s21 =	sadd.s32 $0x4, s21  }
0x5e: {  	s30 =	sadd.s32 $0x30, s31;
	s28 =	sadd.s32 $0xFFFFFFFD, s21;
	v4 =	vld [tilespmem:s29+$0x10000];
	s29 =	simm.s32 $0x1  }
0x5f: {  	s26 =	sadd.s32 $0x40, s26;
	s30 =	sor.u32 $0x80, s30;
	s29 =	simm.s32 @!p0 $0x0;
	vm8 =	vlt.f32 v3, v7  }
0x60: {  	s25 =	sand.u32 $0x7, s25;
	s26 =	sshll.u32 s29, $0x6  }
0x61: {  	v3 =	vsel vm8, v3, v7;
	v7 =	vld [tilespmem:s30+$0x10000];
	s25 =	sshll.u32 s25, $0x4;
	s26 =	sadd.s32 s26, s24  }
0x62: {  	s22 =	sadd.s32 $0x2, s22;
	vm9 =	vlt.f32 v5, v3;
	s29 =	sadd.s32 s25, s24;
	s30 =	sor.u32 $0x80, s26  }
0x63: {  	s22 =	sand.u32 $0x3, s22;
	v3 =	vsel vm9, v5, v3;
	v5 =	vld [tilespmem:s30+$0x10000];
	s31 =	sadd.s32 $0x10, s29  }
0x64: {  	s23 =	sadd.s32 $0x80, s23;
	s22 =	sshll.u32 s22, $0x5;
	vm10 =	vlt.f32 v4, v3;
	s25 =	sor.u32 $0x80, s31  }
0x65: {  	s22 =	sadd.s32 s22, s23;
	v3 =	vsel vm10, v4, v3;
	v4 =	vld [tilespmem:s25+$0x10000]  }
0x66: {  	s22 =	sor.u32 $0x80, s22;
	vm11 =	vlt.f32 v7, v3  }
0x67: {  	s23 =	sadd.s32 $0x30, s29;
	v3 =	vsel vm11, v7, v3;
	v7 =	vld [tilespmem:s22+$0x10000]  }
0x68: {  	v6 =	vsel vm8, s28, v6;
	s24 =	sadd.s32 $0xFFFFFFFE, s21;
	s22 =	sor.u32 $0x80, s23;
	vm8 =	vlt.f32 v5, v3  }
0x69: {  	v6 =	vsel vm9, s24, v6;
	s25 =	sadd.s32 $0xFFFFFFFF, s21;
	v3 =	vsel vm8, v5, v3;
	v5 =	vld [tilespmem:s22+$0x10000]  }
0x6a: {  	s26 =	sadd.s32 $0x4, s21;
	v6 =	vsel vm10, s25, v6;
	vm15 =	vlt.f32 v4, v3  }
0x6b: {  	s28 =	sadd.s32 $0xFFFFFFFD, s26;
	v6 =	vsel vm11, s21, v6;
	v3 =	vsel vm15, v4, v3  }
0x6c: {  	s29 =	sadd.s32 $0xFFFFFFFE, s26;
	v4 =	vsel vm8, s28, v6;
	vm8 =	vlt.f32 v7, v3  }
0x6d: {  	s30 =	sadd.s32 $0xFFFFFFFF, s26;
	s31 =	simm.s32 $0x10080;
	v4 =	vsel vm15, s29, v4;
	v3 =	vsel vm8, v7, v3  }
0x6e: {  	[tilespmem:s31], [sflag:$0x3] =	stream.linear.gather [spmem:s8], $0x80, $0x38;
	v4 =	vsel vm8, s30, v4;
	vm8 =	vlt.f32 v5, v3;
	[tilespmem:$0x14080] =	vst v63  }
0x6f: {  	s21 =	simm.s32 $0x400;
	s22 =	smov.u32 s8;
	v3 =	vsel vm8, v5, v3;
	v4 =	vsel vm8, s26, v4  }
.LBB2_12:
0x70: {  	p0 =	sne.s32 s21, $0xFC00  }
.Ltmp5:
0x71: {  	_ = 	snop;
	(pc) =	sbr.rel @p0 .LBB2_12-.Ltmp5, $4  }
0x72: {  	_ = 	snop  }
0x73: {  	s23 =	sshra.s32 s21, $0x2;
	s21 =	sadd.s32 $0x400, s21  }
0x74: {  	s22 =	sadd.s32 $0x400, s22;
	s23 =	sadd.s32 $0x10080, s23  }
0x75: {  	[tilespmem:s23], [sflag:$0x3] =	stream.linear.gather [spmem:s22], $0x80, $0x38;
	[tilespmem:$0x14080] =	vst v63  }
0x76: {  	s21 =	simm.s32 $0x0  }
0x77: {  	_ =	swait.ge [sflag:s17], $0x2000;
	s22 =	sand.u32 $0x3F00, s21  }
0x78: {  	[sflag:s17] =	ssyncset.done $0x0;
	s21 =	sand.u32 $0x40, s21;
	s28 =	sor.u32 $0x10000, s22  }
0x79: {  	[sflag:s17] =	ssyncadd.s32 $0xFFFFE000;
	s21 =	sor.u32 s21, s28  }
0x7a: {  	s23 =	simm.s32 $0x10;
	v5 =	vld [tilespmem:s21+$0x0]  }
0x7b: {  	s24 =	simm.s32 $0x20;
	s23 =	sand.u32 $0x50, s23  }
0x7c: {  	s26 =	simm.s32 $0x30;
	s25 =	simm.s32 $0x0;
	s23 =	sor.u32 s23, s28  }
0x7d: {  	s24 =	sand.u32 $0x60, s24;
	s29 =	sand.u32 $0x70, s26;
	s22 =	simm.s32 $0x40;
	v7 =	vld [tilespmem:s23+$0x0]  }
0x7e: {  	v9 =	vimm.f32 $+Inf;
	s24 =	sor.u32 s24, s28;
	s28 =	sor.u32 s29, s28;
	s23 =	simm.s32 $0x80  }
0x7f: {  	v8 =	vimm.s32 $0x0;
	s21 =	simm.s32 $0x3;
	v6 =	vld [tilespmem:s24+$0x0];
	s24 =	simm.s32 $0x80;
	s26 =	sand.u32 $0x3F00, s23;
	vm8 =	vlt.f32 v5, v9  }
.LBB2_14:
0x80: {  	p0 =	sne.s32 s24, $0x1FC0  }
0x81: {  	s29 =	sand.u32 $0x40, s22;
	s30 =	sor.u32 $0x10000, s26;
	v9 =	vsel vm8, v5, v9;
	v8 =	vsel vm8, s25, v8;
	v10 =	vld [tilespmem:s28+$0x0];
	s26 =	sadd.s32 $0x10, s22  }
0x82: {  	s28 =	sadd.s32 $0xFFFFFFFE, s21;
	s25 =	sor.u32 s29, s30;
	vm8 =	vlt.f32 v7, v9;
	s29 =	sadd.s32 $0xFFFFFFFF, s21  }
0x83: {  	v5 =	vld [tilespmem:s25+$0x0];
	s25 =	sand.u32 $0x50, s26;
	v9 =	vsel vm8, v7, v9;
	v8 =	vsel vm8, s28, v8;
	s26 =	smov.u32 s21;
	s28 =	smov.u32 s22  }
.Ltmp6:
0x84: {  	s22 =	sor.u32 s25, s30;
	s25 =	sadd.s32 $0x20, s28;
	vm8 =	vlt.f32 v6, v9;
	(pc) =	sbr.rel @p0 .LBB2_14-.Ltmp6, $4  }
0x85: {  	v7 =	vld [tilespmem:s22+$0x0];
	s25 =	sand.u32 $0x60, s25;
	v9 =	vsel vm8, v6, v9;
	v8 =	vsel vm8, s29, v8;
	s22 =	smov.u32 s24  }
0x86: {  	s21 =	sadd.s32 $0x4, s21;
	s28 =	sadd.s32 $0x30, s28;
	s29 =	sor.u32 s25, s30;
	vm8 =	vlt.f32 v10, v9  }
0x87: {  	s23 =	sadd.s32 $0x80, s23;
	s28 =	sand.u32 $0x70, s28;
	s25 =	sadd.s32 $0xFFFFFFFD, s21;
	v6 =	vld [tilespmem:s29+$0x0];
	v9 =	vsel vm8, v10, v9;
	v8 =	vsel vm8, s26, v8  }
0x88: {  	s24 =	sadd.s32 $0x40, s24;
	s28 =	sor.u32 s28, s30;
	s26 =	sand.u32 $0x3F00, s23;
	vm8 =	vlt.f32 v5, v9  }
0x89: {  	s23 =	sand.u32 $0x40, s22;
	s24 =	sor.u32 $0x10000, s26;
	v5 =	vsel vm8, v5, v9;
	v62 =	vld [tilespmem:s28+$0x0]  }
0x8a: {  	s31 =	sadd.s32 $0x10, s22;
	s23 =	sor.u32 s23, s24;
	vm9 =	vlt.f32 v7, v5  }
0x8b: {  	s26 =	sand.u32 $0x50, s31;
	v10 =	vld [tilespmem:s23+$0x0];
	v5 =	vsel vm9, v7, v5  }
0x8c: {  	s28 =	sadd.s32 $0x20, s22;
	s23 =	sor.u32 s26, s24;
	vm10 =	vlt.f32 v6, v5  }
0x8d: {  	s29 =	sand.u32 $0x60, s28;
	v7 =	vld [tilespmem:s23+$0x0];
	v5 =	vsel vm10, v6, v5  }
0x8e: {  	s30 =	sadd.s32 $0x30, s22;
	s23 =	sor.u32 s29, s24;
	vm11 =	vlt.f32 v62, v5  }
0x8f: {  	s22 =	sand.u32 $0x70, s30;
	v6 =	vld [tilespmem:s23+$0x0];
	v5 =	vsel vm11, v62, v5  }
0x90: {  	v8 =	vsel vm8, s25, v8;
	s31 =	sadd.s32 $0xFFFFFFFE, s21;
	s22 =	sor.u32 s22, s24;
	vm8 =	vlt.f32 v10, v5  }
0x91: {  	s25 =	sadd.s32 $0xFFFFFFFF, s21;
	v8 =	vsel vm9, s31, v8;
	v63 =	vld [tilespmem:s22+$0x0];
	v5 =	vsel vm8, v10, v5  }
0x92: {  	s26 =	sadd.s32 $0x4, s21;
	v8 =	vsel vm10, s25, v8;
	vm15 =	vlt.f32 v7, v5  }
0x93: {  	s28 =	sadd.s32 $0xFFFFFFFD, s26;
	v8 =	vsel vm11, s21, v8;
	v5 =	vsel vm15, v7, v5  }
0x94: {  	s29 =	sadd.s32 $0xFFFFFFFE, s26;
	v7 =	vsel vm8, s28, v8;
	vm8 =	vlt.f32 v6, v5  }
0x95: {  	s31 =	simm.s32 $0x10000;
	s30 =	sadd.s32 $0xFFFFFFFF, s26;
	v7 =	vsel vm15, s29, v7;
	v5 =	vsel vm8, v6, v5  }
0x96: {  	[tilespmem:s31], [sflag:$0x2] =	stream.linear.gather [spmem:s9], $0x80, $0x38;
	v6 =	vsel vm8, s30, v7;
	vm8 =	vlt.f32 v63, v5;
	[tilespmem:$0x14080] =	vst v63  }
0x97: {  	s22 =	smov.u32 s9;
	s21 =	simm.s32 $0x400;
	v5 =	vsel vm8, v63, v5;
	v6 =	vsel vm8, s26, v6  }
.LBB2_16:
0x98: {  	p0 =	sne.s32 s21, $0xFC00  }
.Ltmp7:
0x99: {  	_ = 	snop;
	(pc) =	sbr.rel @p0 .LBB2_16-.Ltmp7, $4  }
0x9a: {  	_ = 	snop  }
0x9b: {  	s23 =	sshra.s32 s21, $0x2;
	s21 =	sadd.s32 $0x400, s21  }
0x9c: {  	s22 =	sadd.s32 $0x400, s22;
	s23 =	sadd.s32 $0x10000, s23  }
0x9d: {  	[tilespmem:s23], [sflag:$0x2] =	stream.linear.gather [spmem:s22], $0x80, $0x38;
	[tilespmem:$0x14080] =	vst v63  }
0x9e: {  	p0 =	por $0x0, $0x0;
	s23 =	simm.s32 $0x1  }
0x9f: {  	s21 =	simm.s32 $0x3;
	s23 =	simm.s32 @!p0 $0x0  }
0xa0: {  	s22 =	simm.s32 $0x0;
	_ =	swait.ge [sflag:s21], $0x2000;
	s23 =	sshll.u32 s23, $0x6  }
0xa1: {  	s24 =	sand.u32 $0x7, s22;
	[sflag:s21] =	ssyncset.done $0x0;
	s23 =	sadd.s32 $0x0, s23  }
0xa2: {  	s24 =	sshll.u32 s24, $0x4;
	[sflag:s21] =	ssyncadd.s32 $0xFFFFE000;
	s23 =	sor.u32 $0x80, s23  }
0xa3: {  	s31 =	sand.u32 $0x3, s22;
	s26 =	sadd.s32 $0x0, s24;
	v7 =	vld [tilespmem:s23+$0x10000]  }
0xa4: {  	s28 =	simm.s32 $0x0;
	s24 =	sshll.u32 s31, $0x5;
	s25 =	sadd.s32 $0x10, s26  }
0xa5: {  	p0 =	por !p0, !p0;
	s31 =	sadd.s32 $0x20, s24;
	s29 =	sor.u32 $0x80, s25  }
0xa6: {  	s24 =	simm.s32 $0x80;
	s23 =	simm.s32 $0x20;
	s30 =	sor.u32 $0x80, s31;
	v9 =	vld [tilespmem:s29+$0x10000]  }
0xa7: {  	v11 =	vimm.f32 $+Inf;
	s25 =	simm.s32 $0x4;
	s31 =	sadd.s32 $0x30, s26;
	s29 =	simm.s32 $0x1  }
0xa8: {  	v10 =	vimm.s32 $0x0;
	s26 =	simm.s32 $0x80;
	v8 =	vld [tilespmem:s30+$0x10000];
	s30 =	sor.u32 $0x80, s31;
	s29 =	simm.s32 @!p0 $0x0;
	vm8 =	vlt.f32 v7, v11  }
.LBB2_18:
0xa9: {  	p1 =	sne.s32 s26, $0x1FC0  }
0xaa: {  	s31 =	sand.u32 $0x7, s25;
	s29 =	sshll.u32 s29, $0x6;
	v7 =	vsel vm8, v7, v11;
	v10 =	vsel vm8, s28, v10;
	v11 =	vld [tilespmem:s30+$0x10000];
	s30 =	sadd.s32 $0xFFFFFFFE, s21  }
0xab: {  	s22 =	sadd.s32 $0x2, s22;
	s28 =	sshll.u32 s31, $0x4;
	s29 =	sadd.s32 s29, s24;
	vm8 =	vlt.f32 v9, v7  }
0xac: {  	s23 =	sadd.s32 $0x80, s23;
	s31 =	sadd.s32 s28, s24;
	s28 =	sor.u32 $0x80, s29;
	v9 =	vsel vm8, v9, v7;
	v10 =	vsel vm8, s30, v10  }
0xad: {  	s29 =	sand.u32 $0x3, s22;
	s30 =	sadd.s32 $0xFFFFFFFF, s21;
	v7 =	vld [tilespmem:s28+$0x10000];
	s28 =	sadd.s32 $0x10, s31;
	vm8 =	vlt.f32 v8, v9  }
.Ltmp8:
0xae: {  	s29 =	sshll.u32 s29, $0x5;
	s28 =	sor.u32 $0x80, s28;
	v8 =	vsel vm8, v8, v9;
	v10 =	vsel vm8, s30, v10;
	(pc) =	sbr.rel @p1 .LBB2_18-.Ltmp8, $4  }
0xaf: {  	s25 =	sadd.s32 $0x4, s25;
	s24 =	sadd.s32 $0x80, s24;
	s29 =	sadd.s32 s29, s23;
	v9 =	vld [tilespmem:s28+$0x10000];
	vm8 =	vlt.f32 v11, v8  }
0xb0: {  	p0 =	por !p0, !p0;
	s29 =	sor.u32 $0x80, s29;
	v11 =	vsel vm8, v11, v8;
	v10 =	vsel vm8, s21, v10;
	s21 =	sadd.s32 $0x4, s21  }
0xb1: {  	s30 =	sadd.s32 $0x30, s31;
	s28 =	sadd.s32 $0xFFFFFFFD, s21;
	v8 =	vld [tilespmem:s29+$0x10000];
	s29 =	simm.s32 $0x1  }
0xb2: {  	s26 =	sadd.s32 $0x40, s26;
	s30 =	sor.u32 $0x80, s30;
	s29 =	simm.s32 @!p0 $0x0;
	vm8 =	vlt.f32 v7, v11  }
0xb3: {  	s25 =	sand.u32 $0x7, s25;
	s26 =	sshll.u32 s29, $0x6  }
0xb4: {  	v7 =	vsel vm8, v7, v11;
	v11 =	vld [tilespmem:s30+$0x10000];
	s25 =	sshll.u32 s25, $0x4;
	s26 =	sadd.s32 s26, s24  }
0xb5: {  	s22 =	sadd.s32 $0x2, s22;
	vm9 =	vlt.f32 v9, v7;
	s29 =	sadd.s32 s25, s24;
	s30 =	sor.u32 $0x80, s26  }
0xb6: {  	s22 =	sand.u32 $0x3, s22;
	v7 =	vsel vm9, v9, v7;
	v9 =	vld [tilespmem:s30+$0x10000];
	s31 =	sadd.s32 $0x10, s29  }
0xb7: {  	s23 =	sadd.s32 $0x80, s23;
	s22 =	sshll.u32 s22, $0x5;
	vm10 =	vlt.f32 v8, v7;
	s25 =	sor.u32 $0x80, s31  }
0xb8: {  	s22 =	sadd.s32 s22, s23;
	v7 =	vsel vm10, v8, v7;
	v8 =	vld [tilespmem:s25+$0x10000]  }
0xb9: {  	s22 =	sor.u32 $0x80, s22;
	vm11 =	vlt.f32 v11, v7  }
0xba: {  	s23 =	sadd.s32 $0x30, s29;
	v7 =	vsel vm11, v11, v7;
	v11 =	vld [tilespmem:s22+$0x10000]  }
0xbb: {  	v10 =	vsel vm8, s28, v10;
	s24 =	sadd.s32 $0xFFFFFFFE, s21;
	s22 =	sor.u32 $0x80, s23;
	vm8 =	vlt.f32 v9, v7  }
0xbc: {  	v10 =	vsel vm9, s24, v10;
	s25 =	sadd.s32 $0xFFFFFFFF, s21;
	v7 =	vsel vm8, v9, v7;
	v9 =	vld [tilespmem:s22+$0x10000]  }
0xbd: {  	s26 =	sadd.s32 $0x4, s21;
	v10 =	vsel vm10, s25, v10;
	vm15 =	vlt.f32 v8, v7  }
0xbe: {  	s28 =	sadd.s32 $0xFFFFFFFD, s26;
	v10 =	vsel vm11, s21, v10;
	v7 =	vsel vm15, v8, v7  }
0xbf: {  	s29 =	sadd.s32 $0xFFFFFFFE, s26;
	v8 =	vsel vm8, s28, v10;
	vm8 =	vlt.f32 v11, v7  }
0xc0: {  	s30 =	sadd.s32 $0xFFFFFFFF, s26;
	s31 =	simm.s32 $0x10080;
	v8 =	vsel vm15, s29, v8;
	v7 =	vsel vm8, v11, v7  }
0xc1: {  	[tilespmem:s31], [sflag:$0x3] =	stream.linear.gather [spmem:s10], $0x80, $0x38;
	v8 =	vsel vm8, s30, v8;
	vm8 =	vlt.f32 v9, v7;
	[tilespmem:$0x14080] =	vst v63  }
0xc2: {  	s21 =	simm.s32 $0x400;
	s22 =	smov.u32 s10;
	v7 =	vsel vm8, v9, v7;
	v8 =	vsel vm8, s26, v8  }
.LBB2_20:
0xc3: {  	p0 =	sne.s32 s21, $0xFC00  }
.Ltmp9:
0xc4: {  	_ = 	snop;
	(pc) =	sbr.rel @p0 .LBB2_20-.Ltmp9, $4  }
0xc5: {  	_ = 	snop  }
0xc6: {  	s23 =	sshra.s32 s21, $0x2;
	s21 =	sadd.s32 $0x400, s21  }
0xc7: {  	s22 =	sadd.s32 $0x400, s22;
	s23 =	sadd.s32 $0x10080, s23  }
0xc8: {  	[tilespmem:s23], [sflag:$0x3] =	stream.linear.gather [spmem:s22], $0x80, $0x38;
	[tilespmem:$0x14080] =	vst v63  }
0xc9: {  	s21 =	simm.s32 $0x0  }
0xca: {  	_ =	swait.ge [sflag:s17], $0x2000;
	s22 =	sand.u32 $0x3F00, s21  }
0xcb: {  	[sflag:s17] =	ssyncset.done $0x0;
	s21 =	sand.u32 $0x40, s21;
	s28 =	sor.u32 $0x10000, s22  }
0xcc: {  	[sflag:s17] =	ssyncadd.s32 $0xFFFFE000;
	s21 =	sor.u32 s21, s28  }
0xcd: {  	s23 =	simm.s32 $0x10;
	v9 =	vld [tilespmem:s21+$0x0]  }
0xce: {  	s24 =	simm.s32 $0x20;
	s23 =	sand.u32 $0x50, s23  }
0xcf: {  	s26 =	simm.s32 $0x30;
	s25 =	simm.s32 $0x0;
	s23 =	sor.u32 s23, s28  }
0xd0: {  	s24 =	sand.u32 $0x60, s24;
	s29 =	sand.u32 $0x70, s26;
	s22 =	simm.s32 $0x40;
	v11 =	vld [tilespmem:s23+$0x0]  }
0xd1: {  	v13 =	vimm.f32 $+Inf;
	s24 =	sor.u32 s24, s28;
	s28 =	sor.u32 s29, s28;
	s23 =	simm.s32 $0x80  }
0xd2: {  	v12 =	vimm.s32 $0x0;
	s21 =	simm.s32 $0x3;
	v10 =	vld [tilespmem:s24+$0x0];
	s24 =	simm.s32 $0x80;
	s26 =	sand.u32 $0x3F00, s23;
	vm8 =	vlt.f32 v9, v13  }
.LBB2_22:
0xd3: {  	p0 =	sne.s32 s24, $0x1FC0  }
0xd4: {  	s29 =	sand.u32 $0x40, s22;
	s30 =	sor.u32 $0x10000, s26;
	v13 =	vsel vm8, v9, v13;
	v12 =	vsel vm8, s25, v12;
	v14 =	vld [tilespmem:s28+$0x0];
	s26 =	sadd.s32 $0x10, s22  }
0xd5: {  	s28 =	sadd.s32 $0xFFFFFFFE, s21;
	s25 =	sor.u32 s29, s30;
	vm8 =	vlt.f32 v11, v13;
	s29 =	sadd.s32 $0xFFFFFFFF, s21  }
0xd6: {  	v9 =	vld [tilespmem:s25+$0x0];
	s25 =	sand.u32 $0x50, s26;
	v13 =	vsel vm8, v11, v13;
	v12 =	vsel vm8, s28, v12;
	s26 =	smov.u32 s21;
	s28 =	smov.u32 s22  }
.Ltmp10:
0xd7: {  	s22 =	sor.u32 s25, s30;
	s25 =	sadd.s32 $0x20, s28;
	vm8 =	vlt.f32 v10, v13;
	(pc) =	sbr.rel @p0 .LBB2_22-.Ltmp10, $4  }
0xd8: {  	v11 =	vld [tilespmem:s22+$0x0];
	s25 =	sand.u32 $0x60, s25;
	v13 =	vsel vm8, v10, v13;
	v12 =	vsel vm8, s29, v12;
	s22 =	smov.u32 s24  }
0xd9: {  	s21 =	sadd.s32 $0x4, s21;
	s28 =	sadd.s32 $0x30, s28;
	s29 =	sor.u32 s25, s30;
	vm8 =	vlt.f32 v14, v13  }
0xda: {  	s23 =	sadd.s32 $0x80, s23;
	s28 =	sand.u32 $0x70, s28;
	s25 =	sadd.s32 $0xFFFFFFFD, s21;
	v10 =	vld [tilespmem:s29+$0x0];
	v13 =	vsel vm8, v14, v13;
	v12 =	vsel vm8, s26, v12  }
0xdb: {  	s24 =	sadd.s32 $0x40, s24;
	s28 =	sor.u32 s28, s30;
	s26 =	sand.u32 $0x3F00, s23;
	vm8 =	vlt.f32 v9, v13  }
0xdc: {  	s23 =	sand.u32 $0x40, s22;
	s24 =	sor.u32 $0x10000, s26;
	v9 =	vsel vm8, v9, v13;
	v62 =	vld [tilespmem:s28+$0x0]  }
0xdd: {  	s31 =	sadd.s32 $0x10, s22;
	s23 =	sor.u32 s23, s24;
	vm9 =	vlt.f32 v11, v9  }
0xde: {  	s26 =	sand.u32 $0x50, s31;
	v14 =	vld [tilespmem:s23+$0x0];
	v9 =	vsel vm9, v11, v9  }
0xdf: {  	s28 =	sadd.s32 $0x20, s22;
	s23 =	sor.u32 s26, s24;
	vm10 =	vlt.f32 v10, v9  }
0xe0: {  	s29 =	sand.u32 $0x60, s28;
	v11 =	vld [tilespmem:s23+$0x0];
	v9 =	vsel vm10, v10, v9  }
0xe1: {  	s30 =	sadd.s32 $0x30, s22;
	s23 =	sor.u32 s29, s24;
	vm11 =	vlt.f32 v62, v9  }
0xe2: {  	s22 =	sand.u32 $0x70, s30;
	v10 =	vld [tilespmem:s23+$0x0];
	v9 =	vsel vm11, v62, v9  }
0xe3: {  	v12 =	vsel vm8, s25, v12;
	s31 =	sadd.s32 $0xFFFFFFFE, s21;
	s22 =	sor.u32 s22, s24;
	vm8 =	vlt.f32 v14, v9  }
0xe4: {  	s25 =	sadd.s32 $0xFFFFFFFF, s21;
	v12 =	vsel vm9, s31, v12;
	v63 =	vld [tilespmem:s22+$0x0];
	v9 =	vsel vm8, v14, v9  }
0xe5: {  	s26 =	sadd.s32 $0x4, s21;
	v12 =	vsel vm10, s25, v12;
	vm15 =	vlt.f32 v11, v9  }
0xe6: {  	s28 =	sadd.s32 $0xFFFFFFFD, s26;
	v12 =	vsel vm11, s21, v12;
	v9 =	vsel vm15, v11, v9  }
0xe7: {  	s29 =	sadd.s32 $0xFFFFFFFE, s26;
	v11 =	vsel vm8, s28, v12;
	vm8 =	vlt.f32 v10, v9  }
0xe8: {  	s31 =	simm.s32 $0x10000;
	s30 =	sadd.s32 $0xFFFFFFFF, s26;
	v11 =	vsel vm15, s29, v11;
	v9 =	vsel vm8, v10, v9  }
0xe9: {  	[tilespmem:s31], [sflag:$0x2] =	stream.linear.gather [spmem:s11], $0x80, $0x38;
	v10 =	vsel vm8, s30, v11;
	vm8 =	vlt.f32 v63, v9;
	[tilespmem:$0x14080] =	vst v63  }
0xea: {  	s22 =	smov.u32 s11;
	s21 =	simm.s32 $0x400;
	v9 =	vsel vm8, v63, v9;
	v10 =	vsel vm8, s26, v10  }
.LBB2_24:
0xeb: {  	p0 =	sne.s32 s21, $0xFC00  }
.Ltmp11:
0xec: {  	_ = 	snop;
	(pc) =	sbr.rel @p0 .LBB2_24-.Ltmp11, $4  }
0xed: {  	_ = 	snop  }
0xee: {  	s23 =	sshra.s32 s21, $0x2;
	s21 =	sadd.s32 $0x400, s21  }
0xef: {  	s22 =	sadd.s32 $0x400, s22;
	s23 =	sadd.s32 $0x10000, s23  }
0xf0: {  	[tilespmem:s23], [sflag:$0x2] =	stream.linear.gather [spmem:s22], $0x80, $0x38;
	[tilespmem:$0x14080] =	vst v63  }
0xf1: {  	p0 =	por $0x0, $0x0;
	s23 =	simm.s32 $0x1  }
0xf2: {  	s21 =	simm.s32 $0x3;
	s23 =	simm.s32 @!p0 $0x0  }
0xf3: {  	s22 =	simm.s32 $0x0;
	_ =	swait.ge [sflag:s21], $0x2000;
	s23 =	sshll.u32 s23, $0x6  }
0xf4: {  	s24 =	sand.u32 $0x7, s22;
	[sflag:s21] =	ssyncset.done $0x0;
	s23 =	sadd.s32 $0x0, s23  }
0xf5: {  	s24 =	sshll.u32 s24, $0x4;
	[sflag:s21] =	ssyncadd.s32 $0xFFFFE000;
	s23 =	sor.u32 $0x80, s23  }
0xf6: {  	s31 =	sand.u32 $0x3, s22;
	s26 =	sadd.s32 $0x0, s24;
	v11 =	vld [tilespmem:s23+$0x10000]  }
0xf7: {  	s28 =	simm.s32 $0x0;
	s24 =	sshll.u32 s31, $0x5;
	s25 =	sadd.s32 $0x10, s26  }
0xf8: {  	p0 =	por !p0, !p0;
	s31 =	sadd.s32 $0x20, s24;
	s29 =	sor.u32 $0x80, s25  }
0xf9: {  	s24 =	simm.s32 $0x80;
	s23 =	simm.s32 $0x20;
	s30 =	sor.u32 $0x80, s31;
	v13 =	vld [tilespmem:s29+$0x10000]  }
0xfa: {  	v15 =	vimm.f32 $+Inf;
	s25 =	simm.s32 $0x4;
	s31 =	sadd.s32 $0x30, s26;
	s29 =	simm.s32 $0x1  }
0xfb: {  	v14 =	vimm.s32 $0x0;
	s26 =	simm.s32 $0x80;
	v12 =	vld [tilespmem:s30+$0x10000];
	s30 =	sor.u32 $0x80, s31;
	s29 =	simm.s32 @!p0 $0x0;
	vm8 =	vlt.f32 v11, v15  }
.LBB2_26:
0xfc: {  	p1 =	sne.s32 s26, $0x1FC0  }
0xfd: {  	s31 =	sand.u32 $0x7, s25;
	s29 =	sshll.u32 s29, $0x6;
	v11 =	vsel vm8, v11, v15;
	v14 =	vsel vm8, s28, v14;
	v15 =	vld [tilespmem:s30+$0x10000];
	s30 =	sadd.s32 $0xFFFFFFFE, s21  }
0xfe: {  	s22 =	sadd.s32 $0x2, s22;
	s28 =	sshll.u32 s31, $0x4;
	s29 =	sadd.s32 s29, s24;
	vm8 =	vlt.f32 v13, v11  }
0xff: {  	s23 =	sadd.s32 $0x80, s23;
	s31 =	sadd.s32 s28, s24;
	s28 =	sor.u32 $0x80, s29;
	v13 =	vsel vm8, v13, v11;
	v14 =	vsel vm8, s30, v14  }
0x100: {  	s29 =	sand.u32 $0x3, s22;
	s30 =	sadd.s32 $0xFFFFFFFF, s21;
	v11 =	vld [tilespmem:s28+$0x10000];
	s28 =	sadd.s32 $0x10, s31;
	vm8 =	vlt.f32 v12, v13  }
.Ltmp12:
0x101: {  	s29 =	sshll.u32 s29, $0x5;
	s28 =	sor.u32 $0x80, s28;
	v12 =	vsel vm8, v12, v13;
	v14 =	vsel vm8, s30, v14;
	(pc) =	sbr.rel @p1 .LBB2_26-.Ltmp12, $4  }
0x102: {  	s25 =	sadd.s32 $0x4, s25;
	s24 =	sadd.s32 $0x80, s24;
	s29 =	sadd.s32 s29, s23;
	v13 =	vld [tilespmem:s28+$0x10000];
	vm8 =	vlt.f32 v15, v12  }
0x103: {  	p0 =	por !p0, !p0;
	s29 =	sor.u32 $0x80, s29;
	v15 =	vsel vm8, v15, v12;
	v14 =	vsel vm8, s21, v14;
	s21 =	sadd.s32 $0x4, s21  }
0x104: {  	s30 =	sadd.s32 $0x30, s31;
	s28 =	sadd.s32 $0xFFFFFFFD, s21;
	v12 =	vld [tilespmem:s29+$0x10000];
	s29 =	simm.s32 $0x1  }
0x105: {  	s26 =	sadd.s32 $0x40, s26;
	s30 =	sor.u32 $0x80, s30;
	s29 =	simm.s32 @!p0 $0x0;
	vm8 =	vlt.f32 v11, v15  }
0x106: {  	s25 =	sand.u32 $0x7, s25;
	s26 =	sshll.u32 s29, $0x6  }
0x107: {  	v11 =	vsel vm8, v11, v15;
	v15 =	vld [tilespmem:s30+$0x10000];
	s25 =	sshll.u32 s25, $0x4;
	s26 =	sadd.s32 s26, s24  }
0x108: {  	s22 =	sadd.s32 $0x2, s22;
	vm9 =	vlt.f32 v13, v11;
	s29 =	sadd.s32 s25, s24;
	s30 =	sor.u32 $0x80, s26  }
0x109: {  	s22 =	sand.u32 $0x3, s22;
	v11 =	vsel vm9, v13, v11;
	v13 =	vld [tilespmem:s30+$0x10000];
	s31 =	sadd.s32 $0x10, s29  }
0x10a: {  	s23 =	sadd.s32 $0x80, s23;
	s22 =	sshll.u32 s22, $0x5;
	vm10 =	vlt.f32 v12, v11;
	s25 =	sor.u32 $0x80, s31  }
0x10b: {  	s22 =	sadd.s32 s22, s23;
	v11 =	vsel vm10, v12, v11;
	v12 =	vld [tilespmem:s25+$0x10000]  }
0x10c: {  	s22 =	sor.u32 $0x80, s22;
	vm11 =	vlt.f32 v15, v11  }
0x10d: {  	s23 =	sadd.s32 $0x30, s29;
	v11 =	vsel vm11, v15, v11;
	v15 =	vld [tilespmem:s22+$0x10000]  }
0x10e: {  	v14 =	vsel vm8, s28, v14;
	s24 =	sadd.s32 $0xFFFFFFFE, s21;
	s22 =	sor.u32 $0x80, s23;
	vm8 =	vlt.f32 v13, v11  }
0x10f: {  	v14 =	vsel vm9, s24, v14;
	s25 =	sadd.s32 $0xFFFFFFFF, s21;
	v11 =	vsel vm8, v13, v11;
	v13 =	vld [tilespmem:s22+$0x10000]  }
0x110: {  	s26 =	sadd.s32 $0x4, s21;
	v14 =	vsel vm10, s25, v14;
	vm15 =	vlt.f32 v12, v11  }
0x111: {  	s28 =	sadd.s32 $0xFFFFFFFD, s26;
	v14 =	vsel vm11, s21, v14;
	v11 =	vsel vm15, v12, v11  }
0x112: {  	s29 =	sadd.s32 $0xFFFFFFFE, s26;
	v12 =	vsel vm8, s28, v14;
	vm8 =	vlt.f32 v15, v11  }
0x113: {  	s30 =	sadd.s32 $0xFFFFFFFF, s26;
	s31 =	simm.s32 $0x10080;
	v12 =	vsel vm15, s29, v12;
	v11 =	vsel vm8, v15, v11  }
0x114: {  	[tilespmem:s31], [sflag:$0x3] =	stream.linear.gather [spmem:s12], $0x80, $0x38;
	v12 =	vsel vm8, s30, v12;
	vm8 =	vlt.f32 v13, v11;
	[tilespmem:$0x14080] =	vst v63  }
0x115: {  	s21 =	simm.s32 $0x400;
	s22 =	smov.u32 s12;
	v11 =	vsel vm8, v13, v11;
	v12 =	vsel vm8, s26, v12  }
.LBB2_28:
0x116: {  	p0 =	sne.s32 s21, $0xFC00  }
.Ltmp13:
0x117: {  	_ = 	snop;
	(pc) =	sbr.rel @p0 .LBB2_28-.Ltmp13, $4  }
0x118: {  	_ = 	snop  }
0x119: {  	s23 =	sshra.s32 s21, $0x2;
	s21 =	sadd.s32 $0x400, s21  }
0x11a: {  	s22 =	sadd.s32 $0x400, s22;
	s23 =	sadd.s32 $0x10080, s23  }
0x11b: {  	[tilespmem:s23], [sflag:$0x3] =	stream.linear.gather [spmem:s22], $0x80, $0x38;
	[tilespmem:$0x14080] =	vst v63  }
0x11c: {  	s21 =	simm.s32 $0x0  }
0x11d: {  	_ =	swait.ge [sflag:s17], $0x2000;
	s22 =	sand.u32 $0x3F00, s21  }
0x11e: {  	[sflag:s17] =	ssyncset.done $0x0;
	s21 =	sand.u32 $0x40, s21;
	s28 =	sor.u32 $0x10000, s22  }
0x11f: {  	[sflag:s17] =	ssyncadd.s32 $0xFFFFE000;
	s21 =	sor.u32 s21, s28  }
0x120: {  	s30 =	simm.s32 $0x10;
	v13 =	vld [tilespmem:s21+$0x0]  }
0x121: {  	s24 =	simm.s32 $0x20;
	s22 =	sand.u32 $0x50, s30  }
0x122: {  	s31 =	simm.s32 $0x30;
	s24 =	sand.u32 $0x60, s24;
	s22 =	sor.u32 s22, s28  }
0x123: {  	s23 =	simm.s32 $0x3;
	s29 =	sand.u32 $0x70, s31;
	s25 =	sor.u32 s24, s28;
	v15 =	vld [tilespmem:s22+$0x0]  }
0x124: {  	v17 =	vimm.f32 $+Inf;
	s24 =	simm.s32 $0x80;
	s28 =	sor.u32 s29, s28;
	s21 =	simm.s32 $0x40  }
0x125: {  	v16 =	vimm.s32 $0x0;
	s22 =	simm.s32 $0x0;
	v14 =	vld [tilespmem:s25+$0x0];
	s26 =	sand.u32 $0x3F00, s24;
	s25 =	simm.s32 $0x80;
	vm8 =	vlt.f32 v13, v17  }
.LBB2_30:
0x126: {  	p0 =	sne.s32 s25, $0x1FC0  }
0x127: {  	s29 =	sand.u32 $0x40, s21;
	s30 =	sor.u32 $0x10000, s26;
	v17 =	vsel vm8, v13, v17;
	v16 =	vsel vm8, s22, v16;
	v18 =	vld [tilespmem:s28+$0x0];
	s26 =	sadd.s32 $0x10, s21  }
0x128: {  	s28 =	sadd.s32 $0xFFFFFFFE, s23;
	s22 =	sor.u32 s29, s30;
	vm8 =	vlt.f32 v15, v17;
	s29 =	sadd.s32 $0xFFFFFFFF, s23  }
0x129: {  	v13 =	vld [tilespmem:s22+$0x0];
	s22 =	sand.u32 $0x50, s26;
	v17 =	vsel vm8, v15, v17;
	v16 =	vsel vm8, s28, v16;
	s26 =	smov.u32 s23;
	s28 =	smov.u32 s21  }
.Ltmp14:
0x12a: {  	s21 =	sor.u32 s22, s30;
	s22 =	sadd.s32 $0x20, s28;
	vm8 =	vlt.f32 v14, v17;
	(pc) =	sbr.rel @p0 .LBB2_30-.Ltmp14, $4  }
0x12b: {  	v15 =	vld [tilespmem:s21+$0x0];
	s22 =	sand.u32 $0x60, s22;
	v17 =	vsel vm8, v14, v17;
	v16 =	vsel vm8, s29, v16;
	s21 =	smov.u32 s25  }
0x12c: {  	s23 =	sadd.s32 $0x4, s23;
	s28 =	sadd.s32 $0x30, s28;
	s29 =	sor.u32 s22, s30;
	vm8 =	vlt.f32 v18, v17  }
0x12d: {  	s24 =	sadd.s32 $0x80, s24;
	s28 =	sand.u32 $0x70, s28;
	s22 =	sadd.s32 $0xFFFFFFFD, s23;
	v14 =	vld [tilespmem:s29+$0x0];
	v17 =	vsel vm8, v18, v17;
	v16 =	vsel vm8, s26, v16  }
0x12e: {  	s25 =	sadd.s32 $0x40, s25;
	s28 =	sor.u32 s28, s30;
	s26 =	sand.u32 $0x3F00, s24;
	vm8 =	vlt.f32 v13, v17  }
0x12f: {  	s24 =	sand.u32 $0x40, s21;
	s25 =	sor.u32 $0x10000, s26;
	v13 =	vsel vm8, v13, v17;
	v17 =	vld [tilespmem:s28+$0x0];
	s31 =	sadd.s32 $0x10, s21  }
0x130: {  	s28 =	sadd.s32 $0xFFFFFFFE, s23;
	s29 =	sadd.s32 $0xFFFFFFFF, s23;
	s30 =	sadd.s32 $0x4, s23;
	vm9 =	vlt.f32 v15, v13  }
0x131: {  	p0 =	por $0x0, $0x0;
	v16 =	vsel vm8, s22, v16;
	s22 =	simm.s32 $0x0;
	s24 =	sor.u32 s24, s25;
	v13 =	vsel vm9, v15, v13  }
0x132: {  	s26 =	sand.u32 $0x50, s31;
	s31 =	sadd.s32 $0x20, s21;
	s21 =	sadd.s32 $0x30, s21;
	v18 =	vld [tilespmem:s24+$0x0];
	vm10 =	vlt.f32 v14, v13  }
0x133: {  	s24 =	sor.u32 s26, s25;
	s26 =	sand.u32 $0x60, s31;
	s21 =	sand.u32 $0x70, s21;
	v13 =	vsel vm10, v14, v13  }
0x134: {  	v16 =	vsel vm9, s28, v16;
	s28 =	sand.u32 $0x7, s22;
	v15 =	vld [tilespmem:s24+$0x0];
	s21 =	sor.u32 s21, s25;
	s24 =	simm.s32 $0x1;
	vm11 =	vlt.f32 v17, v13  }
0x135: {  	s31 =	sor.u32 s26, s25;
	s24 =	simm.s32 @!p0 $0x0;
	v13 =	vsel vm11, v17, v13;
	v17 =	vld [tilespmem:s21+$0x0];
	s21 =	simm.s32 $0x3  }
0x136: {  	s26 =	sadd.s32 $0xFFFFFFFD, s30;
	v14 =	vld [tilespmem:s31+$0x0];
	s24 =	sshll.u32 s24, $0x6;
	_ =	swait.ge [sflag:s21], $0x2000  }
0x137: {  	s25 =	sadd.s32 $0xFFFFFFFE, s30;
	s24 =	sadd.s32 $0x0, s24;
	vm8 =	vlt.f32 v18, v13;
	[sflag:s21] =	ssyncset.done $0x0  }
0x138: {  	s28 =	sshll.u32 s28, $0x4;
	v16 =	vsel vm10, s29, v16;
	s24 =	sor.u32 $0x80, s24;
	v13 =	vsel vm8, v18, v13;
	[sflag:s21] =	ssyncadd.s32 $0xFFFFE000  }
0x139: {  	s29 =	sadd.s32 $0xFFFFFFFF, s30;
	s28 =	sadd.s32 $0x0, s28;
	s31 =	sand.u32 $0x3, s22;
	v18 =	vsel vm11, s23, v16;
	vm9 =	vlt.f32 v15, v13;
	v16 =	vld [tilespmem:s24+$0x10000]  }
0x13a: {  	p0 =	por !p0, !p0;
	v13 =	vsel vm9, v15, v13;
	v15 =	vsel vm8, s26, v18;
	s24 =	sadd.s32 $0x10, s28;
	s26 =	sshll.u32 s31, $0x5  }
0x13b: {  	s23 =	simm.s32 $0x20;
	vm8 =	vlt.f32 v14, v13;
	v15 =	vsel vm9, s25, v15;
	s31 =	sor.u32 $0x80, s24;
	s26 =	sadd.s32 $0x20, s26  }
0x13c: {  	s24 =	simm.s32 $0x80;
	s25 =	simm.s32 $0x0;
	v14 =	vsel vm8, v14, v13;
	v13 =	vsel vm8, s29, v15;
	s29 =	sor.u32 $0x80, s26;
	v18 =	vld [tilespmem:s31+$0x10000]  }
0x13d: {  	v19 =	vimm.f32 $+Inf;
	s26 =	simm.s32 $0x4;
	s31 =	sadd.s32 $0x30, s28;
	s28 =	simm.s32 $0x1;
	v15 =	vimm.s32 $0x0;
	vm8 =	vlt.f32 v17, v14  }
0x13e: {  	s28 =	simm.s32 @!p0 $0x0;
	v13 =	vsel vm8, s30, v13;
	v14 =	vsel vm8, v17, v14;
	v17 =	vld [tilespmem:s29+$0x10000];
	s30 =	simm.s32 $0x80;
	s29 =	sor.u32 $0x80, s31;
	vm8 =	vlt.f32 v16, v19  }
.LBB2_32:
0x13f: {  	p1 =	sne.s32 s30, $0x1FC0  }
0x140: {  	s31 =	sand.u32 $0x7, s26;
	s28 =	sshll.u32 s28, $0x6;
	v16 =	vsel vm8, v16, v19;
	v15 =	vsel vm8, s25, v15;
	v19 =	vld [tilespmem:s29+$0x10000];
	s29 =	sadd.s32 $0xFFFFFFFE, s21  }
0x141: {  	s22 =	sadd.s32 $0x2, s22;
	s25 =	sshll.u32 s31, $0x4;
	s28 =	sadd.s32 s28, s24;
	vm8 =	vlt.f32 v18, v16  }
0x142: {  	s23 =	sadd.s32 $0x80, s23;
	s31 =	sadd.s32 s25, s24;
	s25 =	sor.u32 $0x80, s28;
	v18 =	vsel vm8, v18, v16;
	v15 =	vsel vm8, s29, v15  }
0x143: {  	s28 =	sand.u32 $0x3, s22;
	s29 =	sadd.s32 $0xFFFFFFFF, s21;
	v16 =	vld [tilespmem:s25+$0x10000];
	s25 =	sadd.s32 $0x10, s31;
	vm8 =	vlt.f32 v17, v18  }
.Ltmp15:
0x144: {  	s28 =	sshll.u32 s28, $0x5;
	s25 =	sor.u32 $0x80, s25;
	v17 =	vsel vm8, v17, v18;
	v15 =	vsel vm8, s29, v15;
	(pc) =	sbr.rel @p1 .LBB2_32-.Ltmp15, $4  }
0x145: {  	s26 =	sadd.s32 $0x4, s26;
	s24 =	sadd.s32 $0x80, s24;
	s28 =	sadd.s32 s28, s23;
	v18 =	vld [tilespmem:s25+$0x10000];
	vm8 =	vlt.f32 v19, v17  }
0x146: {  	p0 =	por !p0, !p0;
	s28 =	sor.u32 $0x80, s28;
	v19 =	vsel vm8, v19, v17;
	v15 =	vsel vm8, s21, v15;
	s21 =	sadd.s32 $0x4, s21  }
0x147: {  	s29 =	sadd.s32 $0x30, s31;
	s25 =	sadd.s32 $0xFFFFFFFD, s21;
	v17 =	vld [tilespmem:s28+$0x10000];
	s28 =	simm.s32 $0x1  }
0x148: {  	s30 =	sadd.s32 $0x40, s30;
	s29 =	sor.u32 $0x80, s29;
	s28 =	simm.s32 @!p0 $0x0;
	vm8 =	vlt.f32 v16, v19  }
0x149: {  	(xrf0) =	vmin.scan.msk.f32 $0xffff, v1;
	_ =	sdelay $0x5  }
0x14a: {  	v20, _, _ =	vpop (xrf0)  }
0x14b: {  	v20 =	vbroadcast v20, $0xF  }
0x14c: {  	v2 =	vshll.u32 v2, $0x4  }
0x14d: {  	vm9 =	veq.f32 v1, v20;
	v1 =	vxor.u32 v0, v2  }
0x14e: {  	v1 =	vnsel vm9, $0x80002000, v1  }
0x14f: {  	(xrf0) =	vmin.scan.msk.u32 $0xffff, v1  }
0x150: {  	(xrf0) =	vmin.scan.msk.f32 $0xffff, v3;
	_ =	sdelay $0x4  }
0x151: {  	v1, _, _ =	vpop (xrf0)  }
0x152: {  	v2, _, _ =	vpop (xrf0)  }
0x153: {  	v2 =	vbroadcast v2, $0xF  }
0x154: {  	v4 =	vshll.u32 v4, $0x4  }
0x155: {  	vm12 =	veq.f32 v3, v2;
	v2 =	vxor.u32 v0, v4  }
0x156: {  	v2 =	vnsel vm12, $0x80002000, v2  }
0x157: {  	(xrf0) =	vmin.scan.msk.u32 $0xffff, v2  }
0x158: {  	(xrf0) =	vmin.scan.msk.f32 $0xffff, v5;
	_ =	sdelay $0x4  }
0x159: {  	v2, _, _ =	vpop (xrf0)  }
0x15a: {  	v3, _, _ =	vpop (xrf0)  }
0x15b: {  	v3 =	vbroadcast v3, $0xF  }
0x15c: {  	v37 =	vshll.u32 v6, $0x4  }
0x15d: {  	vm13 =	veq.f32 v5, v3;
	v3 =	vxor.u32 v0, v37  }
0x15e: {  	v3 =	vnsel vm13, $0x80002000, v3  }
0x15f: {  	(xrf0) =	vmin.scan.msk.u32 $0xffff, v3  }
0x160: {  	(xrf0) =	vmin.scan.msk.f32 $0xffff, v7;
	_ =	sdelay $0x4  }
0x161: {  	v3, _, _ =	vpop (xrf0)  }
0x162: {  	v38, _, _ =	vpop (xrf0)  }
0x163: {  	v4 =	vbroadcast v38, $0xF  }
0x164: {  	v39 =	vshll.u32 v8, $0x4  }
0x165: {  	v40 =	vxor.u32 v0, v39;
	vm14 =	veq.f32 v7, v4  }
0x166: {  	v4 =	vnsel vm14, $0x80002000, v40  }
0x167: {  	(xrf0) =	vmin.scan.msk.u32 $0xffff, v4  }
0x168: {  	(xrf0) =	vmin.scan.msk.f32 $0xffff, v9;
	_ =	sdelay $0x4  }
0x169: {  	v4, _, _ =	vpop (xrf0)  }
0x16a: {  	v41, _, _ =	vpop (xrf0)  }
0x16b: {  	v5 =	vbroadcast v41, $0xF  }
0x16c: {  	v42 =	vshll.u32 v10, $0x4  }
0x16d: {  	v43 =	vxor.u32 v0, v42;
	vm15 =	veq.f32 v9, v5  }
0x16e: {  	v5 =	vnsel vm15, $0x80002000, v43  }
0x16f: {  	(xrf0) =	vmin.scan.msk.u32 $0xffff, v5  }
0x170: {  	(xrf0) =	vmin.scan.msk.f32 $0xffff, v11;
	_ =	sdelay $0x4  }
0x171: {  	v5, _, _ =	vpop (xrf0)  }
0x172: {  	v44, _, _ =	vpop (xrf0)  }
0x173: {  	v6 =	vbroadcast v44, $0xF  }
0x174: {  	s26 =	sand.u32 $0x7, s26;
	s28 =	sshll.u32 s28, $0x6;
	v45 =	vshll.u32 v12, $0x4  }
0x175: {  	v46 =	vsel vm8, v16, v19;
	v47 =	vld [tilespmem:s29+$0x10000];
	s26 =	sshll.u32 s26, $0x4;
	s28 =	sadd.s32 s28, s24;
	v48 =	vxor.u32 v0, v45;
	vm10 =	veq.f32 v11, v6  }
0x176: {  	s22 =	sadd.s32 $0x2, s22;
	s31 =	sadd.s32 s26, s24;
	s29 =	sor.u32 $0x80, s28;
	vm9 =	vlt.f32 v18, v46;
	v6 =	vnsel vm10, $0x80002000, v48  }
0x177: {  	s22 =	sand.u32 $0x3, s22;
	v50 =	vld [tilespmem:s29+$0x10000];
	s30 =	sadd.s32 $0x10, s31;
	v49 =	vsel vm9, v18, v46;
	(xrf0) =	vmin.scan.msk.u32 $0xffff, v6  }
0x178: {  	s23 =	sadd.s32 $0x80, s23;
	s22 =	sshll.u32 s22, $0x5;
	s26 =	sor.u32 $0x80, s30;
	vm10 =	vlt.f32 v17, v49;
	(xrf0) =	vmin.scan.msk.f32 $0xffff, v14  }
0x179: {  	s22 =	sadd.s32 s22, s23;
	v52 =	vld [tilespmem:s26+$0x10000];
	v51 =	vsel vm10, v17, v49  }
0x17a: {  	s22 =	sor.u32 $0x80, s22;
	vm11 =	vlt.f32 v47, v51  }
0x17b: {  	s31 =	sadd.s32 $0x30, s31;
	v53 =	vld [tilespmem:s22+$0x10000];
	v6 =	vsel vm11, v47, v51  }
0x17c: {  	s22 =	sor.u32 $0x80, s31;
	vm12 =	vlt.f32 v50, v6  }
0x17d: {  	v54 =	vld [tilespmem:s22+$0x10000];
	v6 =	vsel vm12, v50, v6;
	v55, _, _ =	vpop (xrf0)  }
0x17e: {  	vm13 =	vlt.f32 v52, v6;
	v56, _, _ =	vpop (xrf0)  }
0x17f: {  	v6 =	vsel vm13, v52, v6;
	v57 =	vbroadcast v56, $0xF  }
0x180: {  	v58 =	vshll.u32 v13, $0x4;
	vm14 =	vlt.f32 v53, v6  }
0x181: {  	v59 =	vxor.u32 v0, v58;
	v6 =	vsel vm14, v53, v6;
	vm15 =	veq.f32 v14, v57  }
0x182: {  	v7 =	vnsel vm15, $0x80002000, v59;
	vm15 =	vlt.f32 v54, v6  }
0x183: {  	v6 =	vsel vm15, v54, v6;
	(xrf0) =	vmin.scan.msk.u32 $0xffff, v7  }
0x184: {  	v60 =	vsel vm8, s25, v15;
	s23 =	sadd.s32 $0xFFFFFFFE, s21;
	(xrf0) =	vmin.scan.msk.f32 $0xffff, v6  }
0x185: {  	s24 =	sadd.s32 $0xFFFFFFFF, s21;
	v7 =	vsel vm9, s23, v60  }
0x186: {  	s25 =	sadd.s32 $0x4, s21;
	v7 =	vsel vm10, s24, v7  }
0x187: {  	s26 =	sadd.s32 $0xFFFFFFFD, s25;
	v7 =	vsel vm11, s21, v7  }
0x188: {  	s28 =	sadd.s32 $0xFFFFFFFE, s25;
	v7 =	vsel vm12, s26, v7  }
0x189: {  	s29 =	sadd.s32 $0xFFFFFFFF, s25;
	v7 =	vsel vm13, s28, v7;
	v61, _, _ =	vpop (xrf0)  }
0x18a: {  	v7 =	vsel vm14, s29, v7;
	v62, _, _ =	vpop (xrf0)  }
0x18b: {  	v7 =	vsel vm15, s25, v7;
	v9 =	vbroadcast v62, $0xF  }
0x18c: {  	v7 =	vshll.u32 v7, $0x4  }
0x18d: {  	v63 =	vxor.u32 v0, v7;
	vm8 =	veq.f32 v6, v9  }
0x18e: {  	(v2sf) =	vpush v1, $0xF;
	v1 =	vnsel vm8, $0x80002000, v63  }
0x18f: {  	(xrf0) =	vmin.scan.msk.u32 $0xffff, v1  }
0x190: {  	(v2sf) =	vpush v2, $0xF  }
0x191: {  	(v2sf) =	vpush v3, $0xF  }
0x192: {  	(v2sf) =	vpush v4, $0xF  }
0x193: {  	(v2sf) =	vpush v5, $0xF  }
0x194: {  	(v2sf) =	vpush v55, $0xF  }
0x195: {  	(v2sf) =	vpush v61, $0xF;
	v1, _, _ =	vpop (xrf0)  }
0x196: {  	(v2sf) =	vpush v1, $0xF;
	_ =	sdelay $0x6  }
0x197: {  	s30 =	spop (v2sf)  }
0x198: {  	s21 =	sxor.u32 $0x80000000, s30  }
0x199: {  	s31 =	spop (v2sf);
	v1 =	vmov s21  }
0x19a: {  	s22 =	sxor.u32 $0x80000000, s31;
	s23 =	spop (v2sf);
	v1 =	vnsel vm0, $0x0, v1  }
0x19b: {  	s24 =	spop (v2sf);
	s21 =	sxor.u32 $0x80000000, s23;
	v1 =	vsel vm1, s22, v1  }
0x19c: {  	s25 =	spop (v2sf);
	s23 =	sxor.u32 $0x80000000, s24;
	v1 =	vsel vm2, s21, v1  }
0x19d: {  	s26 =	spop (v2sf);
	s22 =	sxor.u32 $0x80000000, s25;
	v1 =	vsel vm3, s23, v1  }
0x19e: {  	s28 =	spop (v2sf);
	s21 =	sxor.u32 $0x80000000, s26;
	v1 =	vsel vm4, s22, v1  }
0x19f: {  	s29 =	sxor.u32 $0x80000000, s28;
	v1 =	vsel vm5, s21, v1;
	s30 =	spop (v2sf)  }
0x1a0: {  	s20 =	sadd.s32 $0x1, s20;
	v1 =	vsel vm6, s29, v1;
	s31 =	sxor.u32 $0x80000000, s30  }
0x1a1: {  	p0 =	sne.s32 s20, s14;
	v1 =	vsel vm7, s31, v1  }
.Ltmp16:
0x1a2: {  	[tilespmem:$0x14000] =	vst v1;
	(pc) =	sbr.rel @p0 .LBB2_1-.Ltmp16, $4  }
0x1a3: {  	[hbm4b:s13+s2] =	stream.linear.scatter [tilespmem:s18], [sflag:$0x4], $0x80, $0x38;
	[tilespmem:$0x14080] =	vst v63  }
0x1a4: {  	_ =	swait.ge [sflag:s19], $0x80  }
0x1a5: {  	[sflag:s19] =	ssyncset.done $0x0  }
0x1a6: {  	[sflag:s19] =	ssyncadd.s32 $0xFFFFFF80  }
0x1a7: {  	_ =	sfence.sel $0x180000  }
0x1a8: {  	[bflag:$0x0] =	sbarrier.arrive $0xFFFF  }
0x1a9: {  	p0 =	sne.s32 s1, $0x0;
	_ =	strace $0x90000047  }
0x1aa: {  	s0 =	sadd.s32 @!p0 $0x100000, s0;
	[bflag:$0x2] =	sbarrier.arrive $0xFFFF  }
0x1ab: {  	[sflag:s0] =	ssyncadd.tile.s32 @!p0 $0x1;
	_ =	shalt  }
.Lfunc_end2:
_tile_overlayer_lowered:
.L_overlay_start_2:
0x1ac: {  	(tag) =	ssettag $0x2  }
0x1ad: {  	s0 =	rddreg [dreg:$0x0];
	s2 =	stileid.u32  }
0x1ae: {  	s1 =	rddreg [dreg:$0x1];
	p0 =	sne.s32 s2, $0x0  }
0x1af: {  	s3 =	rddreg [dreg:$0x2];
	[bflag:$0x3] =	sbarrier.arrive $0xFFFF;
	s2 =	simm.s32 @!p0 $0x1C04  }
0x1b0: {  	[timem:s3], [sflag:s2] =	dma.local @!p0 [hbm:s0], s1  }
0x1b1: {  	s0 =	simm.s32 @!p0 $0x4  }
0x1b2: {  	_ =	swait.ge @!p0 [sflag:s0], s1  }
0x1b3: {  	s1 =	ssub.s32 @!p0 $0x0, s1;
	[sflag:s0] =	ssyncset.done @!p0 $0x0  }
0x1b4: {  	[sflag:s0] =	ssyncadd.s32 @!p0 s1  }
0x1b5: {  	[bflag:$0x3] =	sbarrier.arrive $0xFFFF  }
0x1b6: {  	_ =	shalt  }

</sc_bundles>
